<compile_context>
chip_gen: v7x
topology: tpu7x:2x2x1
jax: 0.10.2.dev20260603
libtpu: 0.0.44.dev20260713+nightly
codegen_flags: <defaults>
</compile_context>

<pallas_src>
import functools
import numpy as np
import jax
import jax.numpy as jnp
from jax import lax
from jax.experimental import pallas as pl
from jax.experimental.pallas import tpu as pltpu
from jax.experimental.pallas import tpu_sc as plsc

B = 4096
NS = 26
D = 128
NF = 27
NIDX = B * NS
VOCAB = 100000


_NC = 2
_NSUB = 16
_NW = _NC * _NSUB


def _sc_gather_body(per_w, chunk, nchunk,
                    idx_hbm, emb_hbm, out_hbm, idx_v, buf0, buf1, sem0, sem1):
  wid = lax.axis_index("s") * _NC + lax.axis_index("c")
  base = wid * per_w
  pltpu.sync_copy(idx_hbm.at[pl.ds(base, per_w)], idx_v)

  def start(c, buf, sem):
    return pltpu.async_copy(emb_hbm.at[idx_v.at[pl.ds(c * chunk, chunk)]],
                            buf, sem)

  def drain(c, buf, sem):
    pltpu.make_async_copy(emb_hbm.at[idx_v.at[pl.ds(c * chunk, chunk)]],
                          buf, sem).wait()
    pltpu.sync_copy(buf, out_hbm.at[pl.ds(base + c * chunk, chunk)])

  start(0, buf0, sem0)

  def body(c, carry):
    @pl.when(c % 2 == 0)
    def _():
      @pl.when(c + 1 < nchunk)
      def _():
        start(c + 1, buf1, sem1)
      drain(c, buf0, sem0)

    @pl.when(c % 2 == 1)
    def _():
      @pl.when(c + 1 < nchunk)
      def _():
        start(c + 1, buf0, sem0)
      drain(c, buf1, sem1)
    return carry

  lax.fori_loop(0, nchunk, body, 0)


def _sc_gather(idx, emb, n_idx, chunk):
  per_w = n_idx // _NW
  assert per_w % chunk == 0 and chunk <= 128 and chunk % 8 == 0
  nchunk = per_w // chunk
  mesh = plsc.VectorSubcoreMesh(core_axis_name="c", subcore_axis_name="s")
  f = pl.kernel(
      functools.partial(_sc_gather_body, per_w, chunk, nchunk),
      mesh=mesh,
      out_type=jax.ShapeDtypeStruct((n_idx, D), jnp.float32),
      scratch_types=[
          pltpu.VMEM((per_w,), jnp.int32),
          pltpu.VMEM((chunk, D), jnp.float32),
          pltpu.VMEM((chunk, D), jnp.float32),
          pltpu.SemaphoreType.DMA,
          pltpu.SemaphoreType.DMA,
      ],
  )
  return f(idx, emb)



_BT = 512


def _tc_body(x_ref, embf_ref, bw0_ref, bb0_ref, bw1_ref, bb1_ref, bw2_ref,
             bb2_ref, t0b_ref, wpair_ref, tb0_ref, tw1_ref, tb1_ref, tw2_ref,
             tb2_ref, tw3_ref, tb3_ref, tw4_ref, tb4_ref, out_ref):
  x = x_ref[...]
  h = jnp.maximum(jnp.dot(x, bw0_ref[...],
                          preferred_element_type=jnp.float32) + bb0_ref[...], 0.0)
  h = jnp.maximum(jnp.dot(h, bw1_ref[...],
                          preferred_element_type=jnp.float32) + bb1_ref[...], 0.0)
  bot = jnp.maximum(jnp.dot(h, bw2_ref[...],
                            preferred_element_type=jnp.float32) + bb2_ref[...], 0.0)

  emb3 = embf_ref[...].reshape(_BT, NS, D)
  feat = jnp.concatenate([bot.reshape(_BT, 1, D), emb3], axis=1)
  xact = lax.dot_general(feat, feat,
                         dimension_numbers=(((2,), (2,)), ((0,), (0,))),
                         preferred_element_type=jnp.float32)

  h = jnp.dot(xact.reshape(_BT, NF * NF), wpair_ref[...],
              preferred_element_type=jnp.float32)
  h = h + jnp.dot(bot, t0b_ref[...], preferred_element_type=jnp.float32)
  h = jnp.maximum(h + tb0_ref[...], 0.0)
  h = jnp.maximum(jnp.dot(h, tw1_ref[...],
                          preferred_element_type=jnp.float32) + tb1_ref[...], 0.0)
  h = jnp.maximum(jnp.dot(h, tw2_ref[...],
                          preferred_element_type=jnp.float32) + tb2_ref[...], 0.0)
  h = jnp.maximum(jnp.dot(h, tw3_ref[...],
                          preferred_element_type=jnp.float32) + tb3_ref[...], 0.0)
  out_ref[...] = jnp.dot(h, tw4_ref[...],
                         preferred_element_type=jnp.float32) + tb4_ref[...]


def _const(shape):
  nd = len(shape)
  return pl.BlockSpec(shape, lambda i: (0,) * nd)


def _tc_forward(x, embf, bw0, bb0, bw1, bb1, bw2, bb2, t0b, wpair, tb0, tw1,
                tb1, tw2, tb2, tw3, tb3, tw4, tb4):
  rows = x.shape[0]
  grid = (rows // _BT,)
  return pl.pallas_call(
      _tc_body,
      grid=grid,
      in_specs=[
          pl.BlockSpec((_BT, 13), lambda i: (i, 0)),
          pl.BlockSpec((_BT * NS, D), lambda i: (i, 0)),
          _const((13, 512)),
          _const((1, 512)),
          _const((512, 256)),
          _const((1, 256)),
          _const((256, 128)),
          _const((1, 128)),
          _const((128, 1024)),
          _const((NF * NF, 1024)),
          _const((1, 1024)),
          _const((1024, 1024)),
          _const((1, 1024)),
          _const((1024, 512)),
          _const((1, 512)),
          _const((512, 256)),
          _const((1, 256)),
          _const((256, 1)),
          _const((1, 1)),
      ],
      out_specs=pl.BlockSpec((_BT, 1), lambda i: (i, 0)),
      out_shape=jax.ShapeDtypeStruct((rows, 1), jnp.float32),
  )(x, embf, bw0, bb0, bw1, bb1, bw2, bb2, t0b, wpair, tb0, tw1, tb1, tw2,
    tb2, tw3, tb3, tw4, tb4)


_NG = 2


def kernel(bot_mlp_input, cat_features, bw0, bb0, bw1, bb1, bw2, bb2, emb,
           tw0, tb0, tw1, tb1, tw2, tb2, tw3, tb3, tw4, tb4):
  offsets = jnp.arange(NS, dtype=jnp.int32) * VOCAB
  idx = (cat_features.astype(jnp.int32) + offsets[None, :]).reshape(-1)

  iu = np.triu_indices(NF)
  pmat = np.zeros((NF, NF), dtype=np.int32)
  pmat[iu] = np.arange(NF * (NF + 1) // 2, dtype=np.int32)
  pmat = pmat + pmat.T - np.diag(np.diag(pmat))
  scale = np.full((NF, NF, 1), 0.5, dtype=np.float32)
  scale[np.arange(NF), np.arange(NF), 0] = 1.0
  t0b = tw0[:D]
  wpair = tw0[D:][pmat.reshape(-1)].reshape(NF, NF, 1024) * scale
  wpair = wpair.reshape(NF * NF, 1024)

  bg = B // _NG
  ng_idx = bg * NS
  chunk = (ng_idx // _NW) // 8 if (ng_idx // _NW) % 128 else 128
  outs = []
  for g in range(_NG):
    idx_g = lax.dynamic_slice_in_dim(idx, g * ng_idx, ng_idx)
    embf_g = _sc_gather(idx_g, emb, ng_idx, chunk)
    x_g = lax.dynamic_slice_in_dim(bot_mlp_input, g * bg, bg)
    outs.append(_tc_forward(x_g, embf_g, bw0, bb0.reshape(1, -1), bw1,
                            bb1.reshape(1, -1), bw2, bb2.reshape(1, -1),
                            t0b, wpair,
                            tb0.reshape(1, -1), tw1, tb1.reshape(1, -1),
                            tw2, tb2.reshape(1, -1), tw3, tb3.reshape(1, -1),
                            tw4, tb4.reshape(1, 1)))
  return jnp.concatenate(outs, axis=0)

# --- scband reference (transcript-rebuilt; emitter-appended) ---
"""Pipeline reference for scband-dlrm-small-64467459113261 (READ-ONLY COPY).

The authoritative reference and input builder live on the scoring server;
editing this copy changes nothing except your own understanding.
"""

import jax, jax.numpy as jnp
import numpy as np

BATCH = 4096
NUM_DENSE = 13
NUM_SPARSE = 26
VOCAB_SIZES = [100000] * NUM_SPARSE
TOTAL_VOCAB = sum(VOCAB_SIZES)
EMBED_DIM = 128
BOT_DIMS = (512, 256, 128)
TOP_DIMS = (1024, 1024, 512, 256, 1)
NUM_FEATS = 1 + NUM_SPARSE
N_PAIRS = NUM_FEATS * (NUM_FEATS + 1) // 2
TOP_IN = EMBED_DIM + N_PAIRS


def setup_inputs(seed: int = 0) -> dict:
    key = jax.random.key(seed)
    ks = jax.random.split(key, 40)
    inp = {}
    inp["bot_mlp_input"] = jax.random.normal(ks[0], (BATCH, NUM_DENSE), dtype=jnp.float32)
    inp["cat_features"] = jax.random.randint(ks[1], (BATCH, NUM_SPARSE), 0, 100000, dtype=jnp.int32)
    dims = [NUM_DENSE] + list(BOT_DIMS)
    for i in range(len(BOT_DIMS)):
        fi, fo = dims[i], dims[i + 1]
        inp["bw%d" % i] = jax.random.normal(ks[2 + 2 * i], (fi, fo), dtype=jnp.float32) * np.sqrt(2.0 / (fi + fo))
        inp["bb%d" % i] = jax.random.normal(ks[3 + 2 * i], (fo,), dtype=jnp.float32) * np.sqrt(1.0 / fo)
    scale = (1.0 / np.sqrt(np.repeat(np.array(VOCAB_SIZES, dtype=np.float32), VOCAB_SIZES)))[:, None]
    inp["emb"] = jax.random.uniform(ks[10], (TOTAL_VOCAB, EMBED_DIM), dtype=jnp.float32) * jnp.asarray(scale, dtype=jnp.float32)
    tdims = [TOP_IN] + list(TOP_DIMS)
    for i in range(len(TOP_DIMS)):
        fi, fo = tdims[i], tdims[i + 1]
        inp["tw%d" % i] = jax.random.normal(ks[12 + 2 * i], (fi, fo), dtype=jnp.float32) * np.sqrt(2.0 / (fi + fo))
        inp["tb%d" % i] = jax.random.normal(ks[13 + 2 * i], (fo,), dtype=jnp.float32) * np.sqrt(1.0 / fo)
    return inp


def _forward(bot_mlp_input, bws, bbs, emb, tws, tbs, cat_features):
    h = bot_mlp_input
    for W, b in zip(bws, bbs):
        h = jax.nn.relu(h @ W + b)
    bot = h  # [B, EMBED_DIM]
    offsets = jnp.asarray(np.concatenate([[0], np.cumsum(VOCAB_SIZES[:-1])]).astype(np.int32))
    idx = (cat_features.astype(jnp.int32) + offsets[None, :]).reshape(-1)
    embf = jnp.take(emb, idx, axis=0).reshape(BATCH, NUM_SPARSE, EMBED_DIM)
    feat = jnp.concatenate([bot.reshape(BATCH, 1, EMBED_DIM), embf], axis=1)
    xact = jnp.einsum('bnd,bmd->bnm', feat, feat)
    iu = jnp.triu_indices(NUM_FEATS)
    act = xact[:, iu[0], iu[1]]  # [B, N_PAIRS], upper triangle incl. diagonal
    h = jnp.concatenate([bot, act], axis=-1)
    n = len(tws)
    for i, (W, b) in enumerate(zip(tws, tbs)):
        h = h @ W + b
        if i < n - 1:
            h = jax.nn.relu(h)
    return h


def reference(bot_mlp_input, cat_features, bw0, bb0, bw1, bb1, bw2, bb2, emb,
              tw0, tb0, tw1, tb1, tw2, tb2, tw3, tb3, tw4, tb4):
    return _forward(bot_mlp_input, [bw0, bw1, bw2], [bb0, bb1, bb2], emb,
                    [tw0, tw1, tw2, tw3, tw4], [tb0, tb1, tb2, tb3, tb4], cat_features)

if __name__ == "__main__":
    import jax
    _d = setup_inputs()
    print(jax.jit(kernel)(*tuple(_d.values())))

</pallas_src>

<mosaic_0001>
#map = affine_map<(d0, d1) -> (0)>
#map1 = affine_map<(d0, d1) -> (0, 0)>
module attributes {stable_mosaic.version = 14 : i64} {
  func.func @_sc_gather_body(%arg0: i32, %arg1: i32, %arg2: memref<53248xi32, #tpu.memory_space<hbm>>, %arg3: memref<2600000x128xf32, #tpu.memory_space<hbm>>, %arg4: memref<53248x128xf32, #tpu.memory_space<hbm>>, %arg5: memref<1664xi32, #tpu.memory_space<vmem>>, %arg6: memref<128x128xf32, #tpu.memory_space<vmem>>, %arg7: memref<128x128xf32, #tpu.memory_space<vmem>>, %arg8: memref<!tpu.dma_semaphore, #tpu.memory_space<semaphore_mem>>, %arg9: memref<!tpu.dma_semaphore, #tpu.memory_space<semaphore_mem>>) attributes {dimension_semantics = [#tpu.dimension_semantics<core_parallel>, #tpu.dimension_semantics<subcore_parallel>], iteration_bounds = array<i64: 2, 16>, scalar_prefetch = 0 : i64, scratch_operands = 5 : i64, tpu.core_type = #tpu.core_type<sc_vector_subcore>, window_params = [{transform_indices = #map}, {transform_indices = #map1}, {transform_indices = #map1}]} {
    %mul3A = arith.constant 2 : i32
    %mul3A_0 = arith.muli %arg1, %mul3A : i32
    %add3A = arith.addi %mul3A_0, %arg0 : i32
    %mul3A_1 = arith.constant 1664 : i32
    %mul3A_2 = arith.muli %add3A, %mul3A_1 : i32
    "tpu.region"() ({
      %run_scoped3A = tpu.sem_alloc : memref<!tpu.dma_semaphore, #tpu.memory_space<semaphore_mem>>
      %dma_start3A_12 = tpu.memref_slice %arg2[%mul3A_2] : memref<53248xi32, #tpu.memory_space<hbm>> -> memref<1664xi32, #tpu.memory_space<hbm>>
      %dma_start3A_13 = tpu.memref_slice %arg2[%mul3A_2] : memref<53248xi32, #tpu.memory_space<hbm>> -> memref<1664xi32, #tpu.memory_space<hbm>>
      tpu.enqueue_dma source(%dma_start3A_13 : memref<1664xi32, #tpu.memory_space<hbm>>) target(%arg5 : memref<1664xi32, #tpu.memory_space<vmem>>) target_semaphore(%run_scoped3A : memref<!tpu.dma_semaphore, #tpu.memory_space<semaphore_mem>>)
      %dma_wait3A = tpu.memref_slice %arg2[%mul3A_2] : memref<53248xi32, #tpu.memory_space<hbm>> -> memref<1664xi32, #tpu.memory_space<hbm>>
      %dma_wait3A_14 = tpu.memref_slice %arg2[%mul3A_2] : memref<53248xi32, #tpu.memory_space<hbm>> -> memref<1664xi32, #tpu.memory_space<hbm>>
      tpu.wait_dma2 semaphore(%run_scoped3A : memref<!tpu.dma_semaphore, #tpu.memory_space<semaphore_mem>>) src(%dma_wait3A_14 : memref<1664xi32, #tpu.memory_space<hbm>>) dst(%arg5 : memref<1664xi32, #tpu.memory_space<vmem>>)
      tpu.yield
    }) : () -> ()
    %dma_start3A = arith.constant 0 : i32
    %dma_start3A_3 = tpu.memref_slice %arg5[%dma_start3A] : memref<1664xi32, #tpu.memory_space<vmem>> -> memref<128xi32, #tpu.memory_space<vmem>>
    %dma_start3A_4 = arith.constant 0 : i32
    %dma_start3A_5 = arith.constant 0 : i32
    %dma_start3A_6 = tpu.memref_slice %arg3[%dma_start3A_4, %dma_start3A_5] : memref<2600000x128xf32, #tpu.memory_space<hbm>> -> memref<2600000x128xf32, #tpu.memory_space<hbm>>
    tpu.enqueue_indirect_dma source(%dma_start3A_6 : memref<2600000x128xf32, #tpu.memory_space<hbm>>) target(%arg6 : memref<128x128xf32, #tpu.memory_space<vmem>>) offsets(%dma_start3A_3 : memref<128xi32, #tpu.memory_space<vmem>>) semaphore(%arg8 : memref<!tpu.dma_semaphore, #tpu.memory_space<semaphore_mem>>)
    %scan3A = arith.constant 0 : i32
    %scan3A_7 = arith.constant 0 : i32
    %scan3A_8 = arith.constant 13 : i32
    %scan3A_9 = arith.addi %scan3A_7, %scan3A_8 : i32
    %scan3A_10 = arith.constant 1 : i32
    scf.for %scan3A_12 = %scan3A_7 to %scan3A_9 step %scan3A_10  : i32 {
      %jit3A = arith.constant 2 : i32
      %eq3A = arith.constant 0 : i32
      %eq3A_13 = arith.cmpi eq, %jit3A, %eq3A : i32
      %jit3A_14 = arith.constant 1 : i32
      %select_n3A = arith.select %eq3A_13, %jit3A_14, %jit3A : i32
      %rem3A = arith.remsi %scan3A_12, %select_n3A : i32
      %ne3A = arith.constant 0 : i32
      %ne3A_15 = arith.cmpi ne, %rem3A, %ne3A : i32
      %lt3A = arith.constant 0 : i32
      %lt3A_16 = arith.cmpi slt, %rem3A, %lt3A : i32
      %lt3A_17 = arith.constant 0 : i32
      %lt3A_18 = arith.cmpi slt, %select_n3A, %lt3A_17 : i32
      %ne3A_19 = arith.xori %lt3A_16, %lt3A_18 : i1
      %and3A = arith.andi %ne3A_19, %ne3A_15 : i1
      %add3A_20 = arith.addi %rem3A, %select_n3A : i32
      %select_n3A_21 = arith.select %and3A, %add3A_20, %rem3A : i32
      %eq3A_22 = arith.constant 0 : i32
      %eq3A_23 = arith.cmpi eq, %select_n3A_21, %eq3A_22 : i32
      %convert_element_type3A = arith.extui %eq3A_23 : i1 to i32
      %cond3A = arith.constant 0 : i32
      %cond3A_24 = arith.cmpi ne, %convert_element_type3A, %cond3A : i32
      scf.if %cond3A_24 {
        %add3A_46 = arith.constant 1 : i32
        %add3A_47 = arith.addi %scan3A_12, %add3A_46 : i32
        %lt3A_48 = arith.constant 13 : i32
        %lt3A_49 = arith.cmpi slt, %add3A_47, %lt3A_48 : i32
        %convert_element_type3A_50 = arith.extui %lt3A_49 : i1 to i32
        %cond3A_51 = arith.constant 0 : i32
        %cond3A_52 = arith.cmpi ne, %convert_element_type3A_50, %cond3A_51 : i32
        scf.if %cond3A_52 {
          %add3A_61 = arith.constant 1 : i32
          %add3A_62 = arith.addi %scan3A_12, %add3A_61 : i32
          %mul3A_63 = arith.constant 128 : i32
          %mul3A_64 = arith.muli %add3A_62, %mul3A_63 : i32
          %dma_start3A_65 = tpu.memref_slice %arg5[%mul3A_64] : memref<1664xi32, #tpu.memory_space<vmem>> -> memref<128xi32, #tpu.memory_space<vmem>>
          %dma_start3A_66 = arith.constant 0 : i32
          %dma_start3A_67 = arith.constant 0 : i32
          %dma_start3A_68 = tpu.memref_slice %arg3[%dma_start3A_66, %dma_start3A_67] : memref<2600000x128xf32, #tpu.memory_space<hbm>> -> memref<2600000x128xf32, #tpu.memory_space<hbm>>
          tpu.enqueue_indirect_dma source(%dma_start3A_68 : memref<2600000x128xf32, #tpu.memory_space<hbm>>) target(%arg7 : memref<128x128xf32, #tpu.memory_space<vmem>>) offsets(%dma_start3A_65 : memref<128xi32, #tpu.memory_space<vmem>>) semaphore(%arg9 : memref<!tpu.dma_semaphore, #tpu.memory_space<semaphore_mem>>)
        } else {
        }
        %mul3A_53 = arith.constant 128 : i32
        %mul3A_54 = arith.muli %scan3A_12, %mul3A_53 : i32
        %dma_wait3A = tpu.memref_slice %arg5[%mul3A_54] : memref<1664xi32, #tpu.memory_space<vmem>> -> memref<128xi32, #tpu.memory_space<vmem>>
        %dma_wait3A_55 = arith.constant 0 : i32
        %dma_wait3A_56 = arith.constant 0 : i32
        %dma_wait3A_57 = tpu.memref_slice %arg3[%dma_wait3A_55, %dma_wait3A_56] : memref<2600000x128xf32, #tpu.memory_space<hbm>> -> memref<2600000x128xf32, #tpu.memory_space<hbm>>
        tpu.wait_indirect_dma semaphore(%arg8 : memref<!tpu.dma_semaphore, #tpu.memory_space<semaphore_mem>>) src(%dma_wait3A_57 : memref<2600000x128xf32, #tpu.memory_space<hbm>>) dst(%arg6 : memref<128x128xf32, #tpu.memory_space<vmem>>)
        %mul3A_58 = arith.constant 128 : i32
        %mul3A_59 = arith.muli %scan3A_12, %mul3A_58 : i32
        %add3A_60 = arith.addi %mul3A_2, %mul3A_59 : i32
        "tpu.region"() ({
          %run_scoped3A = tpu.sem_alloc : memref<!tpu.dma_semaphore, #tpu.memory_space<semaphore_mem>>
          %dma_start3A_61 = arith.constant 0 : i32
          %dma_start3A_62 = tpu.memref_slice %arg4[%add3A_60, %dma_start3A_61] : memref<53248x128xf32, #tpu.memory_space<hbm>> -> memref<128x128xf32, #tpu.memory_space<hbm>>
          %dma_start3A_63 = arith.constant 0 : i32
          %dma_start3A_64 = tpu.memref_slice %arg4[%add3A_60, %dma_start3A_63] : memref<53248x128xf32, #tpu.memory_space<hbm>> -> memref<128x128xf32, #tpu.memory_space<hbm>>
          tpu.enqueue_dma source(%arg6 : memref<128x128xf32, #tpu.memory_space<vmem>>) target(%dma_start3A_64 : memref<128x128xf32, #tpu.memory_space<hbm>>) target_semaphore(%run_scoped3A : memref<!tpu.dma_semaphore, #tpu.memory_space<semaphore_mem>>)
          %dma_wait3A_65 = arith.constant 0 : i32
          %dma_wait3A_66 = tpu.memref_slice %arg4[%add3A_60, %dma_wait3A_65] : memref<53248x128xf32, #tpu.memory_space<hbm>> -> memref<128x128xf32, #tpu.memory_space<hbm>>
          %dma_wait3A_67 = arith.constant 0 : i32
          %dma_wait3A_68 = tpu.memref_slice %arg4[%add3A_60, %dma_wait3A_67] : memref<53248x128xf32, #tpu.memory_space<hbm>> -> memref<128x128xf32, #tpu.memory_space<hbm>>
          tpu.wait_dma2 semaphore(%run_scoped3A : memref<!tpu.dma_semaphore, #tpu.memory_space<semaphore_mem>>) src(%arg6 : memref<128x128xf32, #tpu.memory_space<vmem>>) dst(%dma_wait3A_68 : memref<128x128xf32, #tpu.memory_space<hbm>>)
          tpu.yield
        }) : () -> ()
      } else {
      }
      %jit3A_25 = arith.constant 2 : i32
      %eq3A_26 = arith.constant 0 : i32
      %eq3A_27 = arith.cmpi eq, %jit3A_25, %eq3A_26 : i32
      %jit3A_28 = arith.constant 1 : i32
      %select_n3A_29 = arith.select %eq3A_27, %jit3A_28, %jit3A_25 : i32
      %rem3A_30 = arith.remsi %scan3A_12, %select_n3A_29 : i32
      %ne3A_31 = arith.constant 0 : i32
      %ne3A_32 = arith.cmpi ne, %rem3A_30, %ne3A_31 : i32
      %lt3A_33 = arith.constant 0 : i32
      %lt3A_34 = arith.cmpi slt, %rem3A_30, %lt3A_33 : i32
      %lt3A_35 = arith.constant 0 : i32
      %lt3A_36 = arith.cmpi slt, %select_n3A_29, %lt3A_35 : i32
      %ne3A_37 = arith.xori %lt3A_34, %lt3A_36 : i1
      %and3A_38 = arith.andi %ne3A_37, %ne3A_32 : i1
      %add3A_39 = arith.addi %rem3A_30, %select_n3A_29 : i32
      %select_n3A_40 = arith.select %and3A_38, %add3A_39, %rem3A_30 : i32
      %eq3A_41 = arith.constant 1 : i32
      %eq3A_42 = arith.cmpi eq, %select_n3A_40, %eq3A_41 : i32
      %convert_element_type3A_43 = arith.extui %eq3A_42 : i1 to i32
      %cond3A_44 = arith.constant 0 : i32
      %cond3A_45 = arith.cmpi ne, %convert_element_type3A_43, %cond3A_44 : i32
      scf.if %cond3A_45 {
        %add3A_46 = arith.constant 1 : i32
        %add3A_47 = arith.addi %scan3A_12, %add3A_46 : i32
        %lt3A_48 = arith.constant 13 : i32
        %lt3A_49 = arith.cmpi slt, %add3A_47, %lt3A_48 : i32
        %convert_element_type3A_50 = arith.extui %lt3A_49 : i1 to i32
        %cond3A_51 = arith.constant 0 : i32
        %cond3A_52 = arith.cmpi ne, %convert_element_type3A_50, %cond3A_51 : i32
        scf.if %cond3A_52 {
          %add3A_61 = arith.constant 1 : i32
          %add3A_62 = arith.addi %scan3A_12, %add3A_61 : i32
          %mul3A_63 = arith.constant 128 : i32
          %mul3A_64 = arith.muli %add3A_62, %mul3A_63 : i32
          %dma_start3A_65 = tpu.memref_slice %arg5[%mul3A_64] : memref<1664xi32, #tpu.memory_space<vmem>> -> memref<128xi32, #tpu.memory_space<vmem>>
          %dma_start3A_66 = arith.constant 0 : i32
          %dma_start3A_67 = arith.constant 0 : i32
          %dma_start3A_68 = tpu.memref_slice %arg3[%dma_start3A_66, %dma_start3A_67] : memref<2600000x128xf32, #tpu.memory_space<hbm>> -> memref<2600000x128xf32, #tpu.memory_space<hbm>>
          tpu.enqueue_indirect_dma source(%dma_start3A_68 : memref<2600000x128xf32, #tpu.memory_space<hbm>>) target(%arg6 : memref<128x128xf32, #tpu.memory_space<vmem>>) offsets(%dma_start3A_65 : memref<128xi32, #tpu.memory_space<vmem>>) semaphore(%arg8 : memref<!tpu.dma_semaphore, #tpu.memory_space<semaphore_mem>>)
        } else {
        }
        %mul3A_53 = arith.constant 128 : i32
        %mul3A_54 = arith.muli %scan3A_12, %mul3A_53 : i32
        %dma_wait3A = tpu.memref_slice %arg5[%mul3A_54] : memref<1664xi32, #tpu.memory_space<vmem>> -> memref<128xi32, #tpu.memory_space<vmem>>
        %dma_wait3A_55 = arith.constant 0 : i32
        %dma_wait3A_56 = arith.constant 0 : i32
        %dma_wait3A_57 = tpu.memref_slice %arg3[%dma_wait3A_55, %dma_wait3A_56] : memref<2600000x128xf32, #tpu.memory_space<hbm>> -> memref<2600000x128xf32, #tpu.memory_space<hbm>>
        tpu.wait_indirect_dma semaphore(%arg9 : memref<!tpu.dma_semaphore, #tpu.memory_space<semaphore_mem>>) src(%dma_wait3A_57 : memref<2600000x128xf32, #tpu.memory_space<hbm>>) dst(%arg7 : memref<128x128xf32, #tpu.memory_space<vmem>>)
        %mul3A_58 = arith.constant 128 : i32
        %mul3A_59 = arith.muli %scan3A_12, %mul3A_58 : i32
        %add3A_60 = arith.addi %mul3A_2, %mul3A_59 : i32
        "tpu.region"() ({
          %run_scoped3A = tpu.sem_alloc : memref<!tpu.dma_semaphore, #tpu.memory_space<semaphore_mem>>
          %dma_start3A_61 = arith.constant 0 : i32
          %dma_start3A_62 = tpu.memref_slice %arg4[%add3A_60, %dma_start3A_61] : memref<53248x128xf32, #tpu.memory_space<hbm>> -> memref<128x128xf32, #tpu.memory_space<hbm>>
          %dma_start3A_63 = arith.constant 0 : i32
          %dma_start3A_64 = tpu.memref_slice %arg4[%add3A_60, %dma_start3A_63] : memref<53248x128xf32, #tpu.memory_space<hbm>> -> memref<128x128xf32, #tpu.memory_space<hbm>>
          tpu.enqueue_dma source(%arg7 : memref<128x128xf32, #tpu.memory_space<vmem>>) target(%dma_start3A_64 : memref<128x128xf32, #tpu.memory_space<hbm>>) target_semaphore(%run_scoped3A : memref<!tpu.dma_semaphore, #tpu.memory_space<semaphore_mem>>)
          %dma_wait3A_65 = arith.constant 0 : i32
          %dma_wait3A_66 = tpu.memref_slice %arg4[%add3A_60, %dma_wait3A_65] : memref<53248x128xf32, #tpu.memory_space<hbm>> -> memref<128x128xf32, #tpu.memory_space<hbm>>
          %dma_wait3A_67 = arith.constant 0 : i32
          %dma_wait3A_68 = tpu.memref_slice %arg4[%add3A_60, %dma_wait3A_67] : memref<53248x128xf32, #tpu.memory_space<hbm>> -> memref<128x128xf32, #tpu.memory_space<hbm>>
          tpu.wait_dma2 semaphore(%run_scoped3A : memref<!tpu.dma_semaphore, #tpu.memory_space<semaphore_mem>>) src(%arg7 : memref<128x128xf32, #tpu.memory_space<vmem>>) dst(%dma_wait3A_68 : memref<128x128xf32, #tpu.memory_space<hbm>>)
          tpu.yield
        }) : () -> ()
      } else {
      }
    }
    %scan3A_11 = arith.constant 13 : i32
    return
  }
}

#map = affine_map<(d0, d1) -> (0)>
#map1 = affine_map<(d0, d1) -> (0, 0)>
module attributes {stable_mosaic.version = 14 : i64} {
  func.func @_sc_gather_body(%arg0: i32, %arg1: i32, %arg2: memref<53248xi32, #tpu.memory_space<hbm>>, %arg3: memref<2600000x128xf32, #tpu.memory_space<hbm>>, %arg4: memref<53248x128xf32, #tpu.memory_space<hbm>>, %arg5: memref<1664xi32, #tpu.memory_space<vmem>>, %arg6: memref<128x128xf32, #tpu.memory_space<vmem>>, %arg7: memref<128x128xf32, #tpu.memory_space<vmem>>, %arg8: memref<!tpu.dma_semaphore, #tpu.memory_space<semaphore_mem>>, %arg9: memref<!tpu.dma_semaphore, #tpu.memory_space<semaphore_mem>>) attributes {dimension_semantics = [#tpu.dimension_semantics<core_parallel>, #tpu.dimension_semantics<subcore_parallel>], iteration_bounds = array<i64: 2, 16>, scalar_prefetch = 0 : i64, scratch_operands = 5 : i64, tpu.core_type = #tpu.core_type<sc_vector_subcore>, window_params = [{transform_indices = #map}, {transform_indices = #map1}, {transform_indices = #map1}]} {
    %mul3A = arith.constant 2 : i32
    %mul3A_0 = arith.muli %arg1, %mul3A : i32
    %add3A = arith.addi %mul3A_0, %arg0 : i32
    %mul3A_1 = arith.constant 1664 : i32
    %mul3A_2 = arith.muli %add3A, %mul3A_1 : i32
    "tpu.region"() ({
      %run_scoped3A = tpu.sem_alloc : memref<!tpu.dma_semaphore, #tpu.memory_space<semaphore_mem>>
      %dma_start3A_12 = tpu.memref_slice %arg2[%mul3A_2] : memref<53248xi32, #tpu.memory_space<hbm>> -> memref<1664xi32, #tpu.memory_space<hbm>>
      %dma_start3A_13 = tpu.memref_slice %arg2[%mul3A_2] : memref<53248xi32, #tpu.memory_space<hbm>> -> memref<1664xi32, #tpu.memory_space<hbm>>
      tpu.enqueue_dma source(%dma_start3A_13 : memref<1664xi32, #tpu.memory_space<hbm>>) target(%arg5 : memref<1664xi32, #tpu.memory_space<vmem>>) target_semaphore(%run_scoped3A : memref<!tpu.dma_semaphore, #tpu.memory_space<semaphore_mem>>)
      %dma_wait3A = tpu.memref_slice %arg2[%mul3A_2] : memref<53248xi32, #tpu.memory_space<hbm>> -> memref<1664xi32, #tpu.memory_space<hbm>>
      %dma_wait3A_14 = tpu.memref_slice %arg2[%mul3A_2] : memref<53248xi32, #tpu.memory_space<hbm>> -> memref<1664xi32, #tpu.memory_space<hbm>>
      tpu.wait_dma2 semaphore(%run_scoped3A : memref<!tpu.dma_semaphore, #tpu.memory_space<semaphore_mem>>) src(%dma_wait3A_14 : memref<1664xi32, #tpu.memory_space<hbm>>) dst(%arg5 : memref<1664xi32, #tpu.memory_space<vmem>>)
      tpu.yield
    }) : () -> ()
    %dma_start3A = arith.constant 0 : i32
    %dma_start3A_3 = tpu.memref_slice %arg5[%dma_start3A] : memref<1664xi32, #tpu.memory_space<vmem>> -> memref<128xi32, #tpu.memory_space<vmem>>
    %dma_start3A_4 = arith.constant 0 : i32
    %dma_start3A_5 = arith.constant 0 : i32
    %dma_start3A_6 = tpu.memref_slice %arg3[%dma_start3A_4, %dma_start3A_5] : memref<2600000x128xf32, #tpu.memory_space<hbm>> -> memref<2600000x128xf32, #tpu.memory_space<hbm>>
    tpu.enqueue_indirect_dma source(%dma_start3A_6 : memref<2600000x128xf32, #tpu.memory_space<hbm>>) target(%arg6 : memref<128x128xf32, #tpu.memory_space<vmem>>) offsets(%dma_start3A_3 : memref<128xi32, #tpu.memory_space<vmem>>) semaphore(%arg8 : memref<!tpu.dma_semaphore, #tpu.memory_space<semaphore_mem>>)
    %scan3A = arith.constant 0 : i32
    %scan3A_7 = arith.constant 0 : i32
    %scan3A_8 = arith.constant 13 : i32
    %scan3A_9 = arith.addi %scan3A_7, %scan3A_8 : i32
    %scan3A_10 = arith.constant 1 : i32
    scf.for %scan3A_12 = %scan3A_7 to %scan3A_9 step %scan3A_10  : i32 {
      %jit3A = arith.constant 2 : i32
      %eq3A = arith.constant 0 : i32
      %eq3A_13 = arith.cmpi eq, %jit3A, %eq3A : i32
      %jit3A_14 = arith.constant 1 : i32
      %select_n3A = arith.select %eq3A_13, %jit3A_14, %jit3A : i32
      %rem3A = arith.remsi %scan3A_12, %select_n3A : i32
      %ne3A = arith.constant 0 : i32
      %ne3A_15 = arith.cmpi ne, %rem3A, %ne3A : i32
      %lt3A = arith.constant 0 : i32
      %lt3A_16 = arith.cmpi slt, %rem3A, %lt3A : i32
      %lt3A_17 = arith.constant 0 : i32
      %lt3A_18 = arith.cmpi slt, %select_n3A, %lt3A_17 : i32
      %ne3A_19 = arith.xori %lt3A_16, %lt3A_18 : i1
      %and3A = arith.andi %ne3A_19, %ne3A_15 : i1
      %add3A_20 = arith.addi %rem3A, %select_n3A : i32
      %select_n3A_21 = arith.select %and3A, %add3A_20, %rem3A : i32
      %eq3A_22 = arith.constant 0 : i32
      %eq3A_23 = arith.cmpi eq, %select_n3A_21, %eq3A_22 : i32
      %convert_element_type3A = arith.extui %eq3A_23 : i1 to i32
      %cond3A = arith.constant 0 : i32
      %cond3A_24 = arith.cmpi ne, %convert_element_type3A, %cond3A : i32
      scf.if %cond3A_24 {
        %add3A_46 = arith.constant 1 : i32
        %add3A_47 = arith.addi %scan3A_12, %add3A_46 : i32
        %lt3A_48 = arith.constant 13 : i32
        %lt3A_49 = arith.cmpi slt, %add3A_47, %lt3A_48 : i32
        %convert_element_type3A_50 = arith.extui %lt3A_49 : i1 to i32
        %cond3A_51 = arith.constant 0 : i32
        %cond3A_52 = arith.cmpi ne, %convert_element_type3A_50, %cond3A_51 : i32
        scf.if %cond3A_52 {
          %add3A_61 = arith.constant 1 : i32
          %add3A_62 = arith.addi %scan3A_12, %add3A_61 : i32
          %mul3A_63 = arith.constant 128 : i32
          %mul3A_64 = arith.muli %add3A_62, %mul3A_63 : i32
          %dma_start3A_65 = tpu.memref_slice %arg5[%mul3A_64] : memref<1664xi32, #tpu.memory_space<vmem>> -> memref<128xi32, #tpu.memory_space<vmem>>
          %dma_start3A_66 = arith.constant 0 : i32
          %dma_start3A_67 = arith.constant 0 : i32
          %dma_start3A_68 = tpu.memref_slice %arg3[%dma_start3A_66, %dma_start3A_67] : memref<2600000x128xf32, #tpu.memory_space<hbm>> -> memref<2600000x128xf32, #tpu.memory_space<hbm>>
          tpu.enqueue_indirect_dma source(%dma_start3A_68 : memref<2600000x128xf32, #tpu.memory_space<hbm>>) target(%arg7 : memref<128x128xf32, #tpu.memory_space<vmem>>) offsets(%dma_start3A_65 : memref<128xi32, #tpu.memory_space<vmem>>) semaphore(%arg9 : memref<!tpu.dma_semaphore, #tpu.memory_space<semaphore_mem>>)
        } else {
        }
        %mul3A_53 = arith.constant 128 : i32
        %mul3A_54 = arith.muli %scan3A_12, %mul3A_53 : i32
        %dma_wait3A = tpu.memref_slice %arg5[%mul3A_54] : memref<1664xi32, #tpu.memory_space<vmem>> -> memref<128xi32, #tpu.memory_space<vmem>>
        %dma_wait3A_55 = arith.constant 0 : i32
        %dma_wait3A_56 = arith.constant 0 : i32
        %dma_wait3A_57 = tpu.memref_slice %arg3[%dma_wait3A_55, %dma_wait3A_56] : memref<2600000x128xf32, #tpu.memory_space<hbm>> -> memref<2600000x128xf32, #tpu.memory_space<hbm>>
        tpu.wait_indirect_dma semaphore(%arg8 : memref<!tpu.dma_semaphore, #tpu.memory_space<semaphore_mem>>) src(%dma_wait3A_57 : memref<2600000x128xf32, #tpu.memory_space<hbm>>) dst(%arg6 : memref<128x128xf32, #tpu.memory_space<vmem>>)
        %mul3A_58 = arith.constant 128 : i32
        %mul3A_59 = arith.muli %scan3A_12, %mul3A_58 : i32
        %add3A_60 = arith.addi %mul3A_2, %mul3A_59 : i32
        "tpu.region"() ({
          %run_scoped3A = tpu.sem_alloc : memref<!tpu.dma_semaphore, #tpu.memory_space<semaphore_mem>>
          %dma_start3A_61 = arith.constant 0 : i32
          %dma_start3A_62 = tpu.memref_slice %arg4[%add3A_60, %dma_start3A_61] : memref<53248x128xf32, #tpu.memory_space<hbm>> -> memref<128x128xf32, #tpu.memory_space<hbm>>
          %dma_start3A_63 = arith.constant 0 : i32
          %dma_start3A_64 = tpu.memref_slice %arg4[%add3A_60, %dma_start3A_63] : memref<53248x128xf32, #tpu.memory_space<hbm>> -> memref<128x128xf32, #tpu.memory_space<hbm>>
          tpu.enqueue_dma source(%arg6 : memref<128x128xf32, #tpu.memory_space<vmem>>) target(%dma_start3A_64 : memref<128x128xf32, #tpu.memory_space<hbm>>) target_semaphore(%run_scoped3A : memref<!tpu.dma_semaphore, #tpu.memory_space<semaphore_mem>>)
          %dma_wait3A_65 = arith.constant 0 : i32
          %dma_wait3A_66 = tpu.memref_slice %arg4[%add3A_60, %dma_wait3A_65] : memref<53248x128xf32, #tpu.memory_space<hbm>> -> memref<128x128xf32, #tpu.memory_space<hbm>>
          %dma_wait3A_67 = arith.constant 0 : i32
          %dma_wait3A_68 = tpu.memref_slice %arg4[%add3A_60, %dma_wait3A_67] : memref<53248x128xf32, #tpu.memory_space<hbm>> -> memref<128x128xf32, #tpu.memory_space<hbm>>
          tpu.wait_dma2 semaphore(%run_scoped3A : memref<!tpu.dma_semaphore, #tpu.memory_space<semaphore_mem>>) src(%arg6 : memref<128x128xf32, #tpu.memory_space<vmem>>) dst(%dma_wait3A_68 : memref<128x128xf32, #tpu.memory_space<hbm>>)
          tpu.yield
        }) : () -> ()
      } else {
      }
      %jit3A_25 = arith.constant 2 : i32
      %eq3A_26 = arith.constant 0 : i32
      %eq3A_27 = arith.cmpi eq, %jit3A_25, %eq3A_26 : i32
      %jit3A_28 = arith.constant 1 : i32
      %select_n3A_29 = arith.select %eq3A_27, %jit3A_28, %jit3A_25 : i32
      %rem3A_30 = arith.remsi %scan3A_12, %select_n3A_29 : i32
      %ne3A_31 = arith.constant 0 : i32
      %ne3A_32 = arith.cmpi ne, %rem3A_30, %ne3A_31 : i32
      %lt3A_33 = arith.constant 0 : i32
      %lt3A_34 = arith.cmpi slt, %rem3A_30, %lt3A_33 : i32
      %lt3A_35 = arith.constant 0 : i32
      %lt3A_36 = arith.cmpi slt, %select_n3A_29, %lt3A_35 : i32
      %ne3A_37 = arith.xori %lt3A_34, %lt3A_36 : i1
      %and3A_38 = arith.andi %ne3A_37, %ne3A_32 : i1
      %add3A_39 = arith.addi %rem3A_30, %select_n3A_29 : i32
      %select_n3A_40 = arith.select %and3A_38, %add3A_39, %rem3A_30 : i32
      %eq3A_41 = arith.constant 1 : i32
      %eq3A_42 = arith.cmpi eq, %select_n3A_40, %eq3A_41 : i32
      %convert_element_type3A_43 = arith.extui %eq3A_42 : i1 to i32
      %cond3A_44 = arith.constant 0 : i32
      %cond3A_45 = arith.cmpi ne, %convert_element_type3A_43, %cond3A_44 : i32
      scf.if %cond3A_45 {
        %add3A_46 = arith.constant 1 : i32
        %add3A_47 = arith.addi %scan3A_12, %add3A_46 : i32
        %lt3A_48 = arith.constant 13 : i32
        %lt3A_49 = arith.cmpi slt, %add3A_47, %lt3A_48 : i32
        %convert_element_type3A_50 = arith.extui %lt3A_49 : i1 to i32
        %cond3A_51 = arith.constant 0 : i32
        %cond3A_52 = arith.cmpi ne, %convert_element_type3A_50, %cond3A_51 : i32
        scf.if %cond3A_52 {
          %add3A_61 = arith.constant 1 : i32
          %add3A_62 = arith.addi %scan3A_12, %add3A_61 : i32
          %mul3A_63 = arith.constant 128 : i32
          %mul3A_64 = arith.muli %add3A_62, %mul3A_63 : i32
          %dma_start3A_65 = tpu.memref_slice %arg5[%mul3A_64] : memref<1664xi32, #tpu.memory_space<vmem>> -> memref<128xi32, #tpu.memory_space<vmem>>
          %dma_start3A_66 = arith.constant 0 : i32
          %dma_start3A_67 = arith.constant 0 : i32
          %dma_start3A_68 = tpu.memref_slice %arg3[%dma_start3A_66, %dma_start3A_67] : memref<2600000x128xf32, #tpu.memory_space<hbm>> -> memref<2600000x128xf32, #tpu.memory_space<hbm>>
          tpu.enqueue_indirect_dma source(%dma_start3A_68 : memref<2600000x128xf32, #tpu.memory_space<hbm>>) target(%arg6 : memref<128x128xf32, #tpu.memory_space<vmem>>) offsets(%dma_start3A_65 : memref<128xi32, #tpu.memory_space<vmem>>) semaphore(%arg8 : memref<!tpu.dma_semaphore, #tpu.memory_space<semaphore_mem>>)
        } else {
        }
        %mul3A_53 = arith.constant 128 : i32
        %mul3A_54 = arith.muli %scan3A_12, %mul3A_53 : i32
        %dma_wait3A = tpu.memref_slice %arg5[%mul3A_54] : memref<1664xi32, #tpu.memory_space<vmem>> -> memref<128xi32, #tpu.memory_space<vmem>>
        %dma_wait3A_55 = arith.constant 0 : i32
        %dma_wait3A_56 = arith.constant 0 : i32
        %dma_wait3A_57 = tpu.memref_slice %arg3[%dma_wait3A_55, %dma_wait3A_56] : memref<2600000x128xf32, #tpu.memory_space<hbm>> -> memref<2600000x128xf32, #tpu.memory_space<hbm>>
        tpu.wait_indirect_dma semaphore(%arg9 : memref<!tpu.dma_semaphore, #tpu.memory_space<semaphore_mem>>) src(%dma_wait3A_57 : memref<2600000x128xf32, #tpu.memory_space<hbm>>) dst(%arg7 : memref<128x128xf32, #tpu.memory_space<vmem>>)
        %mul3A_58 = arith.constant 128 : i32
        %mul3A_59 = arith.muli %scan3A_12, %mul3A_58 : i32
        %add3A_60 = arith.addi %mul3A_2, %mul3A_59 : i32
        "tpu.region"() ({
          %run_scoped3A = tpu.sem_alloc : memref<!tpu.dma_semaphore, #tpu.memory_space<semaphore_mem>>
          %dma_start3A_61 = arith.constant 0 : i32
          %dma_start3A_62 = tpu.memref_slice %arg4[%add3A_60, %dma_start3A_61] : memref<53248x128xf32, #tpu.memory_space<hbm>> -> memref<128x128xf32, #tpu.memory_space<hbm>>
          %dma_start3A_63 = arith.constant 0 : i32
          %dma_start3A_64 = tpu.memref_slice %arg4[%add3A_60, %dma_start3A_63] : memref<53248x128xf32, #tpu.memory_space<hbm>> -> memref<128x128xf32, #tpu.memory_space<hbm>>
          tpu.enqueue_dma source(%arg7 : memref<128x128xf32, #tpu.memory_space<vmem>>) target(%dma_start3A_64 : memref<128x128xf32, #tpu.memory_space<hbm>>) target_semaphore(%run_scoped3A : memref<!tpu.dma_semaphore, #tpu.memory_space<semaphore_mem>>)
          %dma_wait3A_65 = arith.constant 0 : i32
          %dma_wait3A_66 = tpu.memref_slice %arg4[%add3A_60, %dma_wait3A_65] : memref<53248x128xf32, #tpu.memory_space<hbm>> -> memref<128x128xf32, #tpu.memory_space<hbm>>
          %dma_wait3A_67 = arith.constant 0 : i32
          %dma_wait3A_68 = tpu.memref_slice %arg4[%add3A_60, %dma_wait3A_67] : memref<53248x128xf32, #tpu.memory_space<hbm>> -> memref<128x128xf32, #tpu.memory_space<hbm>>
          tpu.wait_dma2 semaphore(%run_scoped3A : memref<!tpu.dma_semaphore, #tpu.memory_space<semaphore_mem>>) src(%arg7 : memref<128x128xf32, #tpu.memory_space<vmem>>) dst(%dma_wait3A_68 : memref<128x128xf32, #tpu.memory_space<hbm>>)
          tpu.yield
        }) : () -> ()
      } else {
      }
    }
    %scan3A_11 = arith.constant 13 : i32
    return
  }
}

module attributes {stable_mosaic.version = 14 : i64} {
  func.func @_tc_body(%arg0: i32, %arg1: memref<512x13xf32, #tpu.memory_space<vmem>>, %arg2: memref<13312x128xf32, #tpu.memory_space<vmem>>, %arg3: memref<13x512xf32, #tpu.memory_space<vmem>>, %arg4: memref<1x512xf32, #tpu.memory_space<vmem>>, %arg5: memref<512x256xf32, #tpu.memory_space<vmem>>, %arg6: memref<1x256xf32, #tpu.memory_space<vmem>>, %arg7: memref<256x128xf32, #tpu.memory_space<vmem>>, %arg8: memref<1x128xf32, #tpu.memory_space<vmem>>, %arg9: memref<128x1024xf32, #tpu.memory_space<vmem>>, %arg10: memref<729x1024xf32, #tpu.memory_space<vmem>>, %arg11: memref<1x1024xf32, #tpu.memory_space<vmem>>, %arg12: memref<1024x1024xf32, #tpu.memory_space<vmem>>, %arg13: memref<1x1024xf32, #tpu.memory_space<vmem>>, %arg14: memref<1024x512xf32, #tpu.memory_space<vmem>>, %arg15: memref<1x512xf32, #tpu.memory_space<vmem>>, %arg16: memref<512x256xf32, #tpu.memory_space<vmem>>, %arg17: memref<1x256xf32, #tpu.memory_space<vmem>>, %arg18: memref<256x1xf32, #tpu.memory_space<vmem>>, %arg19: memref<1x1xf32, #tpu.memory_space<vmem>>, %arg20: memref<512x1xf32, #tpu.memory_space<vmem>>) attributes {dimension_semantics = [#tpu.dimension_semantics<arbitrary>], iteration_bounds = array<i64: 4>, scalar_prefetch = 0 : i64, scratch_operands = 0 : i64, tpu.core_type = #tpu.core_type<tc>, window_params = [{transform_indices = @transform_0, window_bounds = array<i64: 512, 13>}, {transform_indices = @transform_1, window_bounds = array<i64: 13312, 128>}, {pipeline_mode = #tpu.pipeline_mode<synchronous>, transform_indices = @transform_2, window_bounds = array<i64: 13, 512>}, {pipeline_mode = #tpu.pipeline_mode<synchronous>, transform_indices = @transform_3, window_bounds = array<i64: 1, 512>}, {pipeline_mode = #tpu.pipeline_mode<synchronous>, transform_indices = @transform_4, window_bounds = array<i64: 512, 256>}, {pipeline_mode = #tpu.pipeline_mode<synchronous>, transform_indices = @transform_5, window_bounds = array<i64: 1, 256>}, {pipeline_mode = #tpu.pipeline_mode<synchronous>, transform_indices = @transform_6, window_bounds = array<i64: 256, 128>}, {pipeline_mode = #tpu.pipeline_mode<synchronous>, transform_indices = @transform_7, window_bounds = array<i64: 1, 128>}, {pipeline_mode = #tpu.pipeline_mode<synchronous>, transform_indices = @transform_8, window_bounds = array<i64: 128, 1024>}, {pipeline_mode = #tpu.pipeline_mode<synchronous>, transform_indices = @transform_9, window_bounds = array<i64: 729, 1024>}, {pipeline_mode = #tpu.pipeline_mode<synchronous>, transform_indices = @transform_10, window_bounds = array<i64: 1, 1024>}, {pipeline_mode = #tpu.pipeline_mode<synchronous>, transform_indices = @transform_11, window_bounds = array<i64: 1024, 1024>}, {pipeline_mode = #tpu.pipeline_mode<synchronous>, transform_indices = @transform_12, window_bounds = array<i64: 1, 1024>}, {pipeline_mode = #tpu.pipeline_mode<synchronous>, transform_indices = @transform_13, window_bounds = array<i64: 1024, 512>}, {pipeline_mode = #tpu.pipeline_mode<synchronous>, transform_indices = @transform_14, window_bounds = array<i64: 1, 512>}, {pipeline_mode = #tpu.pipeline_mode<synchronous>, transform_indices = @transform_15, window_bounds = array<i64: 512, 256>}, {pipeline_mode = #tpu.pipeline_mode<synchronous>, transform_indices = @transform_16, window_bounds = array<i64: 1, 256>}, {pipeline_mode = #tpu.pipeline_mode<synchronous>, transform_indices = @transform_17, window_bounds = array<i64: 256, 1>}, {pipeline_mode = #tpu.pipeline_mode<synchronous>, transform_indices = @transform_18, window_bounds = array<i64: 1, 1>}, {transform_indices = @transform_19, window_bounds = array<i64: 512, 1>}]} {
    %get3A = arith.constant 0 : index
    %get3A_0 = arith.constant 0 : index
    %get3A_1 = vector.load %arg1[%get3A, %get3A_0] : memref<512x13xf32, #tpu.memory_space<vmem>>, vector<512x13xf32>
    %get3A_2 = arith.constant 0 : index
    %get3A_3 = arith.constant 0 : index
    %get3A_4 = vector.load %arg3[%get3A_2, %get3A_3] : memref<13x512xf32, #tpu.memory_space<vmem>>, vector<13x512xf32>
    %dot_general3A = arith.constant dense<0.000000e+00> : vector<512x512xf32>
    %dot_general3A_5 = tpu.matmul %get3A_1, %get3A_4, %dot_general3A {dimension_numbers = #tpu.dot_dimension_numbers<[1], [0], [0], [1], [0, 0, 1, 1], [], []>, transpose_lhs_hint = false} : vector<512x13xf32>, vector<13x512xf32>, vector<512x512xf32> -> vector<512x512xf32>
    %get3A_6 = arith.constant 0 : index
    %get3A_7 = arith.constant 0 : index
    %get3A_8 = vector.load %arg4[%get3A_6, %get3A_7] : memref<1x512xf32, #tpu.memory_space<vmem>>, vector<1x512xf32>
    %add3A = vector.broadcast %get3A_8 : vector<1x512xf32> to vector<512x512xf32>
    %add3A_9 = arith.addf %dot_general3A_5, %add3A : vector<512x512xf32>
    %max3A = arith.constant 0.000000e+00 : f32
    %max3A_10 = vector.broadcast %max3A : f32 to vector<512x512xf32>
    %max3A_11 = arith.maximumf %add3A_9, %max3A_10 : vector<512x512xf32>
    %get3A_12 = arith.constant 0 : index
    %get3A_13 = arith.constant 0 : index
    %get3A_14 = vector.load %arg5[%get3A_12, %get3A_13] : memref<512x256xf32, #tpu.memory_space<vmem>>, vector<512x256xf32>
    %dot_general3A_15 = arith.constant dense<0.000000e+00> : vector<512x256xf32>
    %dot_general3A_16 = tpu.matmul %max3A_11, %get3A_14, %dot_general3A_15 {dimension_numbers = #tpu.dot_dimension_numbers<[1], [0], [0], [1], [0, 0, 1, 1], [], []>, transpose_lhs_hint = false} : vector<512x512xf32>, vector<512x256xf32>, vector<512x256xf32> -> vector<512x256xf32>
    %get3A_17 = arith.constant 0 : index
    %get3A_18 = arith.constant 0 : index
    %get3A_19 = vector.load %arg6[%get3A_17, %get3A_18] : memref<1x256xf32, #tpu.memory_space<vmem>>, vector<1x256xf32>
    %add3A_20 = vector.broadcast %get3A_19 : vector<1x256xf32> to vector<512x256xf32>
    %add3A_21 = arith.addf %dot_general3A_16, %add3A_20 : vector<512x256xf32>
    %max3A_22 = arith.constant 0.000000e+00 : f32
    %max3A_23 = vector.broadcast %max3A_22 : f32 to vector<512x256xf32>
    %max3A_24 = arith.maximumf %add3A_21, %max3A_23 : vector<512x256xf32>
    %get3A_25 = arith.constant 0 : index
    %get3A_26 = arith.constant 0 : index
    %get3A_27 = vector.load %arg7[%get3A_25, %get3A_26] : memref<256x128xf32, #tpu.memory_space<vmem>>, vector<256x128xf32>
    %dot_general3A_28 = arith.constant dense<0.000000e+00> : vector<512x128xf32>
    %dot_general3A_29 = tpu.matmul %max3A_24, %get3A_27, %dot_general3A_28 {dimension_numbers = #tpu.dot_dimension_numbers<[1], [0], [0], [1], [0, 0, 1, 1], [], []>, transpose_lhs_hint = false} : vector<512x256xf32>, vector<256x128xf32>, vector<512x128xf32> -> vector<512x128xf32>
    %get3A_30 = arith.constant 0 : index
    %get3A_31 = arith.constant 0 : index
    %get3A_32 = vector.load %arg8[%get3A_30, %get3A_31] : memref<1x128xf32, #tpu.memory_space<vmem>>, vector<1x128xf32>
    %add3A_33 = vector.broadcast %get3A_32 : vector<1x128xf32> to vector<512x128xf32>
    %add3A_34 = arith.addf %dot_general3A_29, %add3A_33 : vector<512x128xf32>
    %max3A_35 = arith.constant 0.000000e+00 : f32
    %max3A_36 = vector.broadcast %max3A_35 : f32 to vector<512x128xf32>
    %max3A_37 = arith.maximumf %add3A_34, %max3A_36 : vector<512x128xf32>
    %get3A_38 = arith.constant 0 : index
    %get3A_39 = arith.constant 0 : index
    %get3A_40 = vector.load %arg2[%get3A_38, %get3A_39] : memref<13312x128xf32, #tpu.memory_space<vmem>>, vector<13312x128xf32>
    %reshape3A = vector.shape_cast %get3A_40 : vector<13312x128xf32> to vector<512x26x128xf32>
    %reshape3A_41 = vector.shape_cast %max3A_37 : vector<512x128xf32> to vector<512x1x128xf32>
    %concatenate3A = tpu.concatenate %reshape3A_41, %reshape3A in 1 : vector<512x1x128xf32>, vector<512x26x128xf32> -> vector<512x27x128xf32>
    %dot_general3A_42 = arith.constant dense<0.000000e+00> : vector<512x27x27xf32>
    %dot_general3A_43 = tpu.matmul %concatenate3A, %concatenate3A, %dot_general3A_42 {dimension_numbers = #tpu.dot_dimension_numbers<[2], [2], [1], [1], [0, 0, 0, 1, 1, 1], [0], [0]>, transpose_lhs_hint = false} : vector<512x27x128xf32>, vector<512x27x128xf32>, vector<512x27x27xf32> -> vector<512x27x27xf32>
    %reshape3A_44 = vector.shape_cast %dot_general3A_43 : vector<512x27x27xf32> to vector<512x729xf32>
    %get3A_45 = arith.constant 0 : index
    %get3A_46 = arith.constant 0 : index
    %get3A_47 = vector.load %arg10[%get3A_45, %get3A_46] : memref<729x1024xf32, #tpu.memory_space<vmem>>, vector<729x1024xf32>
    %dot_general3A_48 = arith.constant dense<0.000000e+00> : vector<512x1024xf32>
    %dot_general3A_49 = tpu.matmul %reshape3A_44, %get3A_47, %dot_general3A_48 {dimension_numbers = #tpu.dot_dimension_numbers<[1], [0], [0], [1], [0, 0, 1, 1], [], []>, transpose_lhs_hint = false} : vector<512x729xf32>, vector<729x1024xf32>, vector<512x1024xf32> -> vector<512x1024xf32>
    %get3A_50 = arith.constant 0 : index
    %get3A_51 = arith.constant 0 : index
    %get3A_52 = vector.load %arg9[%get3A_50, %get3A_51] : memref<128x1024xf32, #tpu.memory_space<vmem>>, vector<128x1024xf32>
    %dot_general3A_53 = arith.constant dense<0.000000e+00> : vector<512x1024xf32>
    %dot_general3A_54 = tpu.matmul %max3A_37, %get3A_52, %dot_general3A_53 {dimension_numbers = #tpu.dot_dimension_numbers<[1], [0], [0], [1], [0, 0, 1, 1], [], []>, transpose_lhs_hint = false} : vector<512x128xf32>, vector<128x1024xf32>, vector<512x1024xf32> -> vector<512x1024xf32>
    %add3A_55 = arith.addf %dot_general3A_49, %dot_general3A_54 : vector<512x1024xf32>
    %get3A_56 = arith.constant 0 : index
    %get3A_57 = arith.constant 0 : index
    %get3A_58 = vector.load %arg11[%get3A_56, %get3A_57] : memref<1x1024xf32, #tpu.memory_space<vmem>>, vector<1x1024xf32>
    %add3A_59 = vector.broadcast %get3A_58 : vector<1x1024xf32> to vector<512x1024xf32>
    %add3A_60 = arith.addf %add3A_55, %add3A_59 : vector<512x1024xf32>
    %max3A_61 = arith.constant 0.000000e+00 : f32
    %max3A_62 = vector.broadcast %max3A_61 : f32 to vector<512x1024xf32>
    %max3A_63 = arith.maximumf %add3A_60, %max3A_62 : vector<512x1024xf32>
    %get3A_64 = arith.constant 0 : index
    %get3A_65 = arith.constant 0 : index
    %get3A_66 = vector.load %arg12[%get3A_64, %get3A_65] : memref<1024x1024xf32, #tpu.memory_space<vmem>>, vector<1024x1024xf32>
    %dot_general3A_67 = arith.constant dense<0.000000e+00> : vector<512x1024xf32>
    %dot_general3A_68 = tpu.matmul %max3A_63, %get3A_66, %dot_general3A_67 {dimension_numbers = #tpu.dot_dimension_numbers<[1], [0], [0], [1], [0, 0, 1, 1], [], []>, transpose_lhs_hint = false} : vector<512x1024xf32>, vector<1024x1024xf32>, vector<512x1024xf32> -> vector<512x1024xf32>
    %get3A_69 = arith.constant 0 : index
    %get3A_70 = arith.constant 0 : index
    %get3A_71 = vector.load %arg13[%get3A_69, %get3A_70] : memref<1x1024xf32, #tpu.memory_space<vmem>>, vector<1x1024xf32>
    %add3A_72 = vector.broadcast %get3A_71 : vector<1x1024xf32> to vector<512x1024xf32>
    %add3A_73 = arith.addf %dot_general3A_68, %add3A_72 : vector<512x1024xf32>
    %max3A_74 = arith.constant 0.000000e+00 : f32
    %max3A_75 = vector.broadcast %max3A_74 : f32 to vector<512x1024xf32>
    %max3A_76 = arith.maximumf %add3A_73, %max3A_75 : vector<512x1024xf32>
    %get3A_77 = arith.constant 0 : index
    %get3A_78 = arith.constant 0 : index
    %get3A_79 = vector.load %arg14[%get3A_77, %get3A_78] : memref<1024x512xf32, #tpu.memory_space<vmem>>, vector<1024x512xf32>
    %dot_general3A_80 = arith.constant dense<0.000000e+00> : vector<512x512xf32>
    %dot_general3A_81 = tpu.matmul %max3A_76, %get3A_79, %dot_general3A_80 {dimension_numbers = #tpu.dot_dimension_numbers<[1], [0], [0], [1], [0, 0, 1, 1], [], []>, transpose_lhs_hint = false} : vector<512x1024xf32>, vector<1024x512xf32>, vector<512x512xf32> -> vector<512x512xf32>
    %get3A_82 = arith.constant 0 : index
    %get3A_83 = arith.constant 0 : index
    %get3A_84 = vector.load %arg15[%get3A_82, %get3A_83] : memref<1x512xf32, #tpu.memory_space<vmem>>, vector<1x512xf32>
    %add3A_85 = vector.broadcast %get3A_84 : vector<1x512xf32> to vector<512x512xf32>
    %add3A_86 = arith.addf %dot_general3A_81, %add3A_85 : vector<512x512xf32>
    %max3A_87 = arith.constant 0.000000e+00 : f32
    %max3A_88 = vector.broadcast %max3A_87 : f32 to vector<512x512xf32>
    %max3A_89 = arith.maximumf %add3A_86, %max3A_88 : vector<512x512xf32>
    %get3A_90 = arith.constant 0 : index
    %get3A_91 = arith.constant 0 : index
    %get3A_92 = vector.load %arg16[%get3A_90, %get3A_91] : memref<512x256xf32, #tpu.memory_space<vmem>>, vector<512x256xf32>
    %dot_general3A_93 = arith.constant dense<0.000000e+00> : vector<512x256xf32>
    %dot_general3A_94 = tpu.matmul %max3A_89, %get3A_92, %dot_general3A_93 {dimension_numbers = #tpu.dot_dimension_numbers<[1], [0], [0], [1], [0, 0, 1, 1], [], []>, transpose_lhs_hint = false} : vector<512x512xf32>, vector<512x256xf32>, vector<512x256xf32> -> vector<512x256xf32>
    %get3A_95 = arith.constant 0 : index
    %get3A_96 = arith.constant 0 : index
    %get3A_97 = vector.load %arg17[%get3A_95, %get3A_96] : memref<1x256xf32, #tpu.memory_space<vmem>>, vector<1x256xf32>
    %add3A_98 = vector.broadcast %get3A_97 : vector<1x256xf32> to vector<512x256xf32>
    %add3A_99 = arith.addf %dot_general3A_94, %add3A_98 : vector<512x256xf32>
    %max3A_100 = arith.constant 0.000000e+00 : f32
    %max3A_101 = vector.broadcast %max3A_100 : f32 to vector<512x256xf32>
    %max3A_102 = arith.maximumf %add3A_99, %max3A_101 : vector<512x256xf32>
    %get3A_103 = arith.constant 0 : index
    %get3A_104 = arith.constant 0 : index
    %get3A_105 = vector.load %arg18[%get3A_103, %get3A_104] : memref<256x1xf32, #tpu.memory_space<vmem>>, vector<256x1xf32>
    %dot_general3A_106 = arith.constant dense<0.000000e+00> : vector<512x1xf32>
    %dot_general3A_107 = tpu.matmul %max3A_102, %get3A_105, %dot_general3A_106 {dimension_numbers = #tpu.dot_dimension_numbers<[1], [0], [0], [1], [0, 0, 1, 1], [], []>, transpose_lhs_hint = false} : vector<512x256xf32>, vector<256x1xf32>, vector<512x1xf32> -> vector<512x1xf32>
    %get3A_108 = arith.constant 0 : index
    %get3A_109 = arith.constant 0 : index
    %get3A_110 = vector.load %arg19[%get3A_108, %get3A_109] : memref<1x1xf32, #tpu.memory_space<vmem>>, vector<1x1xf32>
    %add3A_111 = vector.broadcast %get3A_110 : vector<1x1xf32> to vector<512x1xf32>
    %add3A_112 = arith.addf %dot_general3A_107, %add3A_111 : vector<512x1xf32>
    %swap3A = arith.constant 0 : index
    %swap3A_113 = arith.constant 0 : index
    %swap3A_114 = vector.load %arg20[%swap3A, %swap3A_113] : memref<512x1xf32, #tpu.memory_space<vmem>>, vector<512x1xf32>
    tpu.vector_store %arg20[%swap3A, %swap3A_113], %add3A_112 {strides = array<i32>} : memref<512x1xf32, #tpu.memory_space<vmem>>, vector<512x1xf32>,
    return
  }
  func.func @transform_0(%arg0: i32) -> (i32, i32) {
    %c0_i32 = arith.constant 0 : i32
    %c0_i32_0 = arith.constant 0 : i32
    return %arg0, %c0_i32 : i32, i32
  }
  func.func @transform_1(%arg0: i32) -> (i32, i32) {
    %c0_i32 = arith.constant 0 : i32
    %c0_i32_0 = arith.constant 0 : i32
    return %arg0, %c0_i32 : i32, i32
  }
  func.func @transform_2(%arg0: i32) -> (i32, i32) {
    %c0_i32 = arith.constant 0 : i32
    %c0_i32_0 = arith.constant 0 : i32
    %c0_i32_1 = arith.constant 0 : i32
    return %c0_i32, %c0_i32_0 : i32, i32
  }
  func.func @transform_3(%arg0: i32) -> (i32, i32) {
    %c0_i32 = arith.constant 0 : i32
    %c0_i32_0 = arith.constant 0 : i32
    %c0_i32_1 = arith.constant 0 : i32
    return %c0_i32, %c0_i32_0 : i32, i32
  }
  func.func @transform_4(%arg0: i32) -> (i32, i32) {
    %c0_i32 = arith.constant 0 : i32
    %c0_i32_0 = arith.constant 0 : i32
    %c0_i32_1 = arith.constant 0 : i32
    return %c0_i32, %c0_i32_0 : i32, i32
  }
  func.func @transform_5(%arg0: i32) -> (i32, i32) {
    %c0_i32 = arith.constant 0 : i32
    %c0_i32_0 = arith.constant 0 : i32
    %c0_i32_1 = arith.constant 0 : i32
    return %c0_i32, %c0_i32_0 : i32, i32
  }
  func.func @transform_6(%arg0: i32) -> (i32, i32) {
    %c0_i32 = arith.constant 0 : i32
    %c0_i32_0 = arith.constant 0 : i32
    %c0_i32_1 = arith.constant 0 : i32
    return %c0_i32, %c0_i32_0 : i32, i32
  }
  func.func @transform_7(%arg0: i32) -> (i32, i32) {
    %c0_i32 = arith.constant 0 : i32
    %c0_i32_0 = arith.constant 0 : i32
    %c0_i32_1 = arith.constant 0 : i32
    return %c0_i32, %c0_i32_0 : i32, i32
  }
  func.func @transform_8(%arg0: i32) -> (i32, i32) {
    %c0_i32 = arith.constant 0 : i32
    %c0_i32_0 = arith.constant 0 : i32
    %c0_i32_1 = arith.constant 0 : i32
    return %c0_i32, %c0_i32_0 : i32, i32
  }
  func.func @transform_9(%arg0: i32) -> (i32, i32) {
    %c0_i32 = arith.constant 0 : i32
    %c0_i32_0 = arith.constant 0 : i32
    %c0_i32_1 = arith.constant 0 : i32
    return %c0_i32, %c0_i32_0 : i32, i32
  }
  func.func @transform_10(%arg0: i32) -> (i32, i32) {
    %c0_i32 = arith.constant 0 : i32
    %c0_i32_0 = arith.constant 0 : i32
    %c0_i32_1 = arith.constant 0 : i32
    return %c0_i32, %c0_i32_0 : i32, i32
  }
  func.func @transform_11(%arg0: i32) -> (i32, i32) {
    %c0_i32 = arith.constant 0 : i32
    %c0_i32_0 = arith.constant 0 : i32
    %c0_i32_1 = arith.constant 0 : i32
    return %c0_i32, %c0_i32_0 : i32, i32
  }
  func.func @transform_12(%arg0: i32) -> (i32, i32) {
    %c0_i32 = arith.constant 0 : i32
    %c0_i32_0 = arith.constant 0 : i32
    %c0_i32_1 = arith.constant 0 : i32
    return %c0_i32, %c0_i32_0 : i32, i32
  }
  func.func @transform_13(%arg0: i32) -> (i32, i32) {
    %c0_i32 = arith.constant 0 : i32
    %c0_i32_0 = arith.constant 0 : i32
    %c0_i32_1 = arith.constant 0 : i32
    return %c0_i32, %c0_i32_0 : i32, i32
  }
  func.func @transform_14(%arg0: i32) -> (i32, i32) {
    %c0_i32 = arith.constant 0 : i32
    %c0_i32_0 = arith.constant 0 : i32
    %c0_i32_1 = arith.constant 0 : i32
    return %c0_i32, %c0_i32_0 : i32, i32
  }
  func.func @transform_15(%arg0: i32) -> (i32, i32) {
    %c0_i32 = arith.constant 0 : i32
    %c0_i32_0 = arith.constant 0 : i32
    %c0_i32_1 = arith.constant 0 : i32
    return %c0_i32, %c0_i32_0 : i32, i32
  }
  func.func @transform_16(%arg0: i32) -> (i32, i32) {
    %c0_i32 = arith.constant 0 : i32
    %c0_i32_0 = arith.constant 0 : i32
    %c0_i32_1 = arith.constant 0 : i32
    return %c0_i32, %c0_i32_0 : i32, i32
  }
  func.func @transform_17(%arg0: i32) -> (i32, i32) {
    %c0_i32 = arith.constant 0 : i32
    %c0_i32_0 = arith.constant 0 : i32
    %c0_i32_1 = arith.constant 0 : i32
    return %c0_i32, %c0_i32_0 : i32, i32
  }
  func.func @transform_18(%arg0: i32) -> (i32, i32) {
    %c0_i32 = arith.constant 0 : i32
    %c0_i32_0 = arith.constant 0 : i32
    %c0_i32_1 = arith.constant 0 : i32
    return %c0_i32, %c0_i32_0 : i32, i32
  }
  func.func @transform_19(%arg0: i32) -> (i32, i32) {
    %c0_i32 = arith.constant 0 : i32
    %c0_i32_0 = arith.constant 0 : i32
    return %arg0, %c0_i32 : i32, i32
  }
}

</mosaic_0001>

<sc_bundles>
// kernel: kernel.6.cloned.1.call-start
scs
__scs_entry_jumppad:
0x0: {  	(pc) =	sbr.rel $0x88, $3  }
0x1: {  	(tag) =	ssettag $0x0;
	lr =	simm.s32 $0x1  }
0x2: {  	[smem:$0x3F8E] =	sst lr;
	_ =	strace $0xD0000000  }
0x3: {  	_ = 	snop  }
0x4: {  	_ = 	snop  }
0x5: {  	_ = 	snop  }
0x6: {  	_ = 	snop  }
0x7: {  	_ = 	snop  }
__scs_overlays_trampoline_lowered:
0x8: {  	[smem:$0x3F9D] =	sst s0  }
0x9: {  	[smem:$0x3F9E] =	sst s1  }
0xa: {  	[smem:$0x3F9F] =	sst s2  }
0xb: {  	[smem:$0x3FA0] =	sst s3  }
0xc: {  	[smem:$0x3FA1] =	sst s4  }
0xd: {  	[smem:$0x3FA2] =	sst s5  }
0xe: {  	[smem:$0x3FA3] =	sst s6  }
0xf: {  	[smem:$0x3FA4] =	sst s7  }
0x10: {  	[smem:$0x3FA5] =	sst s8  }
0x11: {  	[smem:$0x3FA6] =	sst s9;
	s0 =	simm.s32 @!p0 $0x0  }
0x12: {  	s1 =	sld [smem:$0x3F8C];
	s0 =	simm.s32 @p0 $0x1  }
0x13: {  	[smem:$0x3FA7] =	sst s0;
	s0 =	simm.s32 @!p1 $0x0  }
0x14: {  	s2 =	sld [smem:$0x3F8B];
	s0 =	simm.s32 @p1 $0x1  }
0x15: {  	[smem:$0x3FA8] =	sst s0;
	s0 =	simm.s32 @!p2 $0x0  }
0x16: {  	s3 =	sld [smem:$0x3FDB];
	s0 =	simm.s32 @p2 $0x1  }
0x17: {  	s4 =	simm.s32 $0x1BF5;
	[smem:$0x3FAA] =	sst s0  }
0x18: {  	s0 =	sld [smem:$0x3F8D];
	_ =	swait.ge [sflag:s4], $0x0  }
0x19: {  	s7 =	sld [smem:$0x3F8E]  }
0x1a: {  	s8 =	sadd.s32 $0xFFFFE003, lr  }
0x1b: {  	s9 =	sadd.s32 $0xFFFFFEF7, lr;
	s5 =	simm.s32 $0xFFFFFFFF;
	p2 =	slt.u32 s8, $0xFFFFF086  }
0x1c: {  	p1 =	slt.u32 s9, $0xF7A;
	s5 =	simm.s32 @!p2 $0x0  }
0x1d: {  	s5 =	simm.s32 @p1 $0x1;
	p0 =	seq.s32 s7, s2  }
0x1e: {  	s7 =	smul.u32 @!p0 $0xF7A, s2;
	p2 =	seq.s32 @!p0 s5, $0x0  }
0x1f: {  	s9 =	smul.u32 $0xF7A, s1;
	s8 =	simm.s32 @!p0 $0x1BF5;
	p2 =	por !p2, p0  }
0x20: {  	[sflag:s8] =	ssyncset.s32 @!p0 $0xFFFFF086;
	s6 =	sadd.s32 @!p0 s3, s7;
	s7 =	simm.s32 @!p0 $0x108  }
0x21: {  	s3 =	sadd.s32 s3, s9;
	s6 =	sadd.s32 @!p0 $0x88, s6;
	s7 =	simm.s32 @p2 $0x1082  }
0x22: {  	[simem:s7], [sflag:s8] =	dma.local @!p0 [hbm:s6], $0xF7A  }
0x23: {  	s9 =	sor.u32 $0xD0000000, s2;
	s6 =	simm.s32 $0x108;
	_ =	swait.ge @!p0 [sflag:s8], $0x0  }
0x24: {  	s3 =	sadd.s32 $0x88, s3;
	s6 =	simm.s32 @!p1 $0x1082;
	[sflag:s4] =	ssyncset.s32 $0xFFFFF086  }
0x25: {  	[simem:s6], [sflag:s4] =	dma.local [hbm:s3], $0xF7A  }
0x26: {  	[smem:$0x3F8E] =	sst s1;
	(tag) =	ssettag s2;
	_ =	strace s9  }
0x27: {  	s1 =	sld [smem:$0x3F9E]  }
0x28: {  	s2 =	sld [smem:$0x3F9F]  }
0x29: {  	s4 =	sld [smem:$0x3FA1]  }
0x2a: {  	p0 =	seq.s32 s5, $0x0;
	s5 =	sld [smem:$0x3FA2]  }
0x2b: {  	s6 =	sld [smem:$0x3FA3]  }
0x2c: {  	s7 =	sld [smem:$0x3FA4]  }
0x2d: {  	s3 =	simm.s32 $0x108;
	s8 =	sld [smem:$0x3FA5]  }
0x2e: {  	s3 =	simm.s32 @!p0 $0x1082;
	s9 =	sld [smem:$0x3FA6]  }
0x2f: {  	lr =	sadd.s32 s0, s3;
	s0 =	sld [smem:$0x3F9D]  }
0x30: {  	s3 =	sld [smem:$0x3FA0]  }
0x31: {  	[smem:$0x3FA9] =	sst s10  }
0x32: {  	s10 =	sld [smem:$0x3FA7];
	_ =	sdelay $0x3  }
0x33: {  	p0 =	seq.s32 s10, $0x1;
	s10 =	sld [smem:$0x3FA9];
	_ =	sdelay $0x3  }
0x34: {  	[smem:$0x3FA9] =	sst s10  }
0x35: {  	s10 =	sld [smem:$0x3FA8];
	_ =	sdelay $0x3  }
0x36: {  	p1 =	seq.s32 s10, $0x1;
	s10 =	sld [smem:$0x3FA9];
	_ =	sdelay $0x3  }
0x37: {  	[smem:$0x3FA9] =	sst s10  }
0x38: {  	s10 =	sld [smem:$0x3FAA]  }
0x39: {  	_ = 	snop;
	(pc) =	sbr.ind lr, $3  }
0x3a: {  	_ = 	snop  }
0x3b: {  	_ = 	snop  }
0x3c: {  	p2 =	seq.s32 s10, $0x1;
	s10 =	sld [smem:$0x3FA9]  }
0x3d: {  	_ =	shalt  }
0x3e: {  	_ =	shalt  }
0x3f: {  	_ =	shalt  }
0x40: {  	_ =	shalt  }
0x41: {  	_ =	shalt  }
0x42: {  	_ =	shalt  }
0x43: {  	_ =	shalt  }
0x44: {  	_ =	shalt  }
0x45: {  	_ =	shalt  }
0x46: {  	_ =	shalt  }
0x47: {  	_ =	shalt  }
0x48: {  	_ =	shalt  }
0x49: {  	_ =	shalt  }
0x4a: {  	_ =	shalt  }
0x4b: {  	_ =	shalt  }
0x4c: {  	_ =	shalt  }
0x4d: {  	_ =	shalt  }
0x4e: {  	_ =	shalt  }
0x4f: {  	_ =	shalt  }
0x50: {  	_ =	shalt  }
0x51: {  	_ =	shalt  }
0x52: {  	_ =	shalt  }
0x53: {  	_ =	shalt  }
0x54: {  	_ =	shalt  }
0x55: {  	_ =	shalt  }
0x56: {  	_ =	shalt  }
0x57: {  	_ =	shalt  }
0x58: {  	_ =	shalt  }
0x59: {  	_ =	shalt  }
0x5a: {  	_ =	shalt  }
0x5b: {  	_ =	shalt  }
0x5c: {  	_ =	shalt  }
0x5d: {  	_ =	shalt  }
0x5e: {  	_ =	shalt  }
0x5f: {  	_ =	shalt  }
0x60: {  	_ =	shalt  }
0x61: {  	_ =	shalt  }
0x62: {  	_ =	shalt  }
0x63: {  	_ =	shalt  }
0x64: {  	_ =	shalt  }
0x65: {  	_ =	shalt  }
0x66: {  	_ =	shalt  }
0x67: {  	_ =	shalt  }
0x68: {  	_ =	shalt  }
0x69: {  	_ =	shalt  }
0x6a: {  	_ =	shalt  }
0x6b: {  	_ =	shalt  }
0x6c: {  	_ =	shalt  }
0x6d: {  	_ =	shalt  }
0x6e: {  	_ =	shalt  }
0x6f: {  	_ =	shalt  }
0x70: {  	_ =	shalt  }
0x71: {  	_ =	shalt  }
0x72: {  	_ =	shalt  }
0x73: {  	_ =	shalt  }
0x74: {  	_ =	shalt  }
0x75: {  	_ =	shalt  }
0x76: {  	_ =	shalt  }
0x77: {  	_ =	shalt  }
0x78: {  	_ =	shalt  }
0x79: {  	_ =	shalt  }
0x7a: {  	_ =	shalt  }
0x7b: {  	_ =	shalt  }
0x7c: {  	_ =	shalt  }
0x7d: {  	_ =	shalt  }
0x7e: {  	_ =	shalt  }
0x7f: {  	_ =	shalt  }
0x80: {  	_ =	shalt  }
0x81: {  	_ =	shalt  }
0x82: {  	_ =	shalt  }
0x83: {  	_ =	shalt  }
0x84: {  	_ =	shalt  }
0x85: {  	_ =	shalt  }
0x86: {  	_ =	shalt  }
0x87: {  	_ =	shalt  }
.Lfunc_end0:
.L_simem_size_0:
called_computation_lowered:
.L_overlay_start_0:
0x88: {  	s2 =	sld [smem:$0x3FD9]  }
0x89: {  	s3 =	sld [smem:$0x3FFE];
	_ =	sdelay $0x1  }
0x8a: {  	s1 =	srdreg.scid  }
0x8b: {  	s0 =	sand.u32 $0x1, s1  }
0x8c: {  	s17 =	sshll.u32 s0, $0xA;
	s2 =	sadd.s32 s3, s2  }
0x8d: {  	s2 =	sadd.s32 s2, s17  }
0x8e: {  	[smem:$0x3FB5] =	sst s2  }
0x8f: {  	_ = 	snop  }
0x90: {  	s18 =	sld [smem:$0x3FC1];
	(tm) =	ssettm $0x1  }
0x91: {  	s19 =	sld [smem:$0x3FFB];
	_ =	sdelay $0x3  }
0x92: {  	_ =	strace s19  }
0x93: {  	s2 =	sld [smem:$0x3FFC];
	_ =	sdelay $0x3  }
0x94: {  	_ =	strace s2  }
0x95: {  	s2 =	sld [smem:$0x3FFD];
	_ =	sdelay $0x3  }
0x96: {  	_ =	strace s2  }
0x97: {  	_ =	strace $0x8FFFFFFF  }
0x98: {  	s20 =	sld [smem:$0x3FDB];
	_ =	sdelay $0x1  }
0x99: {  	s4 =	simm.s32 $_scs_section_size  }
0x9a: {  	s5 =	simm.s32 $_size__tile_overlayer_lowered;
	s6 =	simm.s32 $_tile_overlayer_lowered  }
0x9b: {  	s7 =	simm.s32 $0x1BFF;
	s21 =	sshll.u32 s6, $0x1;
	s4 =	sadd.s32 s4, s20  }
0x9c: {  	s22 =	simm.s32 $0x0;
	s5 =	sshll.u32 s5, $0x1;
	s6 =	sadd.s32 s21, s4  }
0x9d: {  	[timem:s22], [sflag:s7] =	dma.local [hbm:s6], s5  }
0x9e: {  	_ =	swait.ge [sflag:s7], s5  }
0x9f: {  	s5 =	ssub.s32 $0x0, s5;
	[sflag:s7] =	ssyncset.done $0x0  }
0xa0: {  	[sflag:s7] =	ssyncadd.s32 s5;
	_ =	sdelay $0x1  }
0xa1: {  	s23 =	simm.s32 $0x1B8B  }
0xa2: {  	_ =	swait.ge [sflag:s23], $0x1  }
0xa3: {  	[sflag:s23] =	ssyncset.done $0x0  }
0xa4: {  	[sflag:s23] =	ssyncadd.s32 $0xFFFFFFFF  }
0xa5: {  	s5 =	sld [smem:$0x0]  }
0xa6: {  	s6 =	sand.u32 $0xFFFFFFFE, s1  }
0xa7: {  	p0 =	sne.s32 s1, s6  }
0xa8: {  	s6 =	sshll.u32 @p0 s6, $0xE  }
0xa9: {  	s6 =	sadd.s32 @p0 $0x11B8D, s6;
	s7 =	sshll.u32 @p0 s5, $0x11  }
0xaa: {  	s6 =	sor.u32 @p0 s7, s6  }
0xab: {  	[sflag:s6] =	ssyncadd.remote.s32 @p0 $0x1;
	_ =	sdelay $0x1  }
0xac: {  	s6 =	simm.s32 @p0 $0x1B8D  }
0xad: {  	_ =	swait.eq @p0 [sflag:s6], $0x1  }
0xae: {  	[sflag:s6] =	ssyncadd.s32 @p0 $0xFFFFFFFF  }
0xaf: {  	s7 =	sshll.u32 @!p0 s1, $0xE  }
0xb0: {  	s7 =	sor.u32 @!p0 $0x4000, s7;
	s6 =	simm.s32 @!p0 $0x1B8D  }
0xb1: {  	s5 =	sshll.u32 @!p0 s5, $0x11;
	s7 =	sadd.s32 @!p0 $0x11B8D, s7;
	_ =	swait.eq @!p0 [sflag:s6], $0x1  }
0xb2: {  	s5 =	sor.u32 @!p0 s5, s7;
	[sflag:s6] =	ssyncadd.s32 @!p0 $0xFFFFFFFF  }
0xb3: {  	s25 =	simm.s32 $0x1B8E;
	s24 =	sld [smem:$0x3FFE];
	[sflag:s5] =	ssyncadd.remote.s32 @!p0 $0x1  }
0xb4: {  	s26 =	simm.s32 $execute0_lowered;
	[smem:$0x3FD2] =	sst s25  }
0xb5: {  	s6 =	sshll.u32 s26, $0x1;
	_ =	strace $0x80000049;
	[dreg:$0x1] =	wrdreg $0xFFFFFFFF  }
0xb6: {  	s28 =	simm.s32 $_size_execute0_lowered;
	s4 =	sadd.s32 s4, s6;
	[dreg:$0x0] =	wrdreg $0x0  }
0xb7: {  	s6 =	sshll.u32 s28, $0x1;
	[dreg:$0x2] =	wrdreg s4  }
0xb8: {  	[dreg:$0x3] =	wrdreg s6  }
0xb9: {  	[dreg:$0x4] =	wrdreg $0xC0  }
0xba: {  	_ =	task [dreg:s22], $0x5FFFF  }
0xbb: {  	[dreg:$0x1] =	wrdreg $0xFFFFFFFF  }
0xbc: {  	[dreg:$0x0] =	wrdreg $0x60  }
0xbd: {  	[dreg:$0x2] =	wrdreg s24  }
0xbe: {  	[dreg:$0x3] =	wrdreg s18  }
0xbf: {  	[dreg:$0x4] =	wrdreg $0x9  }
0xc0: {  	_ =	task.clear_ibuf [dreg:s22], $0x5FFFF;
	_ =	strace $0x90000049  }
0xc1: {  	s29 =	simm.s32 $0x9;
	_ =	strace $0x8000004B  }
0xc2: {  	_ =	swait.ge [sflag:s29], $0x1  }
0xc3: {  	[sflag:s29] =	ssyncadd.s32 $0xFFFFFFFF  }
0xc4: {  	_ =	strace $0x9000004B  }
0xc5: {  	_ =	sfence  }
0xc6: {  	s30 =	sld [smem:$0x0];
	_ =	sdelay $0x2  }
0xc7: {  	s31 =	sshll.u32 s1, $0xD;
	s1 =	sshrl.u32 s1, $0x2  }
0xc8: {  	s4 =	sand.u32 $0x4000, s31;
	s1 =	sadd.s32 s1, s30  }
0xc9: {  	s0 =	sor.u32 s4, s0;
	s1 =	sshll.u32 s1, $0x11  }
0xca: {  	s0 =	sor.u32 s1, s0  }
0xcb: {  	s0 =	sadd.s32 $0x8F2B, s0  }
0xcc: {  	[sflag:s0] =	ssyncadd.remote.s32 $0x1  }
0xcd: {  	_ =	sfence.sel $0xFFFF  }
0xce: {  	[dreg:$0x0] =	wrdreg $0xFFFFFFFF;
	(pc) =	sbr.abs _section_cstart, $3  }
0xcf: {  	[dreg:$0x1] =	wrdreg $0xFFFFFFFF  }
0xd0: {  	_ =	task.clear_ibuf [dreg:s22], $0x2FFFF;
	_ =	strace $0x9FFFFFFF  }
0xd1: {  	(tm) =	ssettm $0x7FFFFFFF  }
tec
execute0_lowered:
.L_overlay_start_1:
0x0: {  	(tag) =	ssettag $0x1  }
0x1: {  	s1 =	srdreg.scid  }
0x2: {  	s0 =	stileid.u32;
	s4 =	rddreg [dreg:$0x0]  }
0x3: {  	s2 =	rddreg [dreg:$0x1];
	s3 =	simm.s32 $0x0;
	s12 =	simm.s32 $0x0  }
0x4: {  	s5 =	sand.u32 $0x1, s1;
	s30 =	sshll.u32 s0, $0x1;
	s1 =	rddreg [dreg:$0x2]  }
0x5: {  	[smem:$0x7FF] =	sst s3;
	s9 =	smul.u32 $0x68000, s0;
	s11 =	sadd.s32 $0xD8E00, s4  }
0x6: {  	s6 =	sor.u32 s5, s30;
	s8 =	ssub.s32 $0x2, s5;
	s5 =	smul.u32 $0x34000, s5  }
0x7: {  	_ =	strace $0x8000004A;
	s7 =	smul.u32 $0xD0, s6;
	s10 =	sshrl.u32 s8, $0x1  }
0x8: {  	s6 =	smul.u32 $0x34000, s6;
	s8 =	ssub.s32 s8, s10;
	s31 =	sadd.s32 s5, s9  }
0x9: {  	s9 =	simm.s32 $0x680;
	s10 =	simm.s32 $0x1;
	s7 =	sadd.s32 s7, s4  }
0xa: {  	s6 =	sshrl.u32 s6, $0x3;
	s5 =	smax.u32 s8, $0x1;
	s8 =	simm.s32 $0x3  }
0xb: {  	s4 =	sadd.s32 $0x3400, s7;
	s6 =	sadd.s32 s11, s6;
	s7 =	sshrl.u32 s31, $0x3  }
0xc: {  	s6 =	sadd.s32 $0x6000, s6;
	s7 =	sadd.s32 s7, s11;
	s11 =	simm.s32 $0x4  }
.LBB2_1:
0xd: {  	[tilespmem:s3], [sflag:$0x3] =	stream.linear.gather [hbm4b:s4+s3], $0x680, $0x38;
	[tilespmem:$0x8680] =	vst v63  }
0xe: {  	_ =	swait.ge [sflag:s8], $0x680  }
0xf: {  	s14 =	sand.u32 $0x1, s3;
	[sflag:s8] =	ssyncset.done $0x0  }
0x10: {  	s13 =	simm.s32 $0x80;
	p0 =	seq.s32 s14, $0x1;
	[sflag:s8] =	ssyncadd.s32 $0xFFFFF980  }
0x11: {  	[tilespmem:s9], [sflag:$0x1] =	stream.indirect.gather [hbm4b:s2+s13], $0x80, s3, s13, $0xb8;
	[tilespmem:$0x8680] =	vst v63  }
0x12: {  	s14 =	simm.s32 @p0 $0x80;
	s15 =	simm.s32 @p0 $0x680;
	s16 =	simm.s32 @p0 $0x2  }
0x13: {  	[tilespmem:s15], [sflag:$0x1] =	stream.indirect.gather @p0 [hbm4b:s2+s14], $0x80, s13, s14, $0xb8;
	[tilespmem:$0x8680] =	vst v63  }
0x14: {  	_ =	swait.ge @p0 [sflag:s16], $0x4000  }
0x15: {  	[sflag:s16] =	ssyncset.done @p0 $0x0  }
0x16: {  	s14 =	simm.s32 @p0 $0x0;
	s15 =	simm.s32 @p0 $0x4680;
	[sflag:s16] =	ssyncadd.s32 @p0 $0xFFFFC000  }
0x17: {  	[hbm4b:s7+s14] =	stream.linear.scatter @p0 [tilespmem:s15], [sflag:$0x3], $0x4000, $0x38;
	[tilespmem:$0x8680] =	vst v63  }
0x18: {  	s17 =	simm.s32 @!p0 $0x1;
	s14 =	simm.s32 @!p0 $0x80;
	s15 =	simm.s32 @!p0 $0x4680  }
0x19: {  	[tilespmem:s15], [sflag:$0x2] =	stream.indirect.gather @!p0 [hbm4b:s2+s14], $0x80, s13, s14, $0xb8;
	[tilespmem:$0x8680] =	vst v63  }
0x1a: {  	s16 =	simm.s32 @!p0 $0x4;
	_ =	swait.ge @!p0 [sflag:s17], $0x4000  }
0x1b: {  	s31 =	simm.s32 $0x1;
	s16 =	simm.s32 @p0 $0x3;
	[sflag:s17] =	ssyncset.done @!p0 $0x0  }
0x1c: {  	s13 =	simm.s32 @!p0 $0x680;
	[sflag:s17] =	ssyncadd.s32 @!p0 $0xFFFFC000;
	s17 =	simm.s32 @!p0 $0x0  }
0x1d: {  	[hbm4b:s7+s17] =	stream.linear.scatter @!p0 [tilespmem:s13], [sflag:$0x4], $0x4000, $0x38;
	[tilespmem:$0x8680] =	vst v63  }
0x1e: {  	s15 =	simm.s32 $0x2;
	s14 =	sand.u32 $0x1, s31;
	s13 =	sadd.s32 $0x800, s7  }
0x1f: {  	p0 =	seq.s32 s14, $0x1;
	s14 =	simm.s32 $0x100;
	_ =	swait.ge [sflag:s16], $0x4000  }
.LBB2_2:
0x20: {  	s17 =	simm.s32 @p0 $0x80;
	s18 =	simm.s32 @p0 $0x680  }
0x21: {  	[sflag:s16] =	ssyncset.done $0x0;
	s19 =	smov.u32 s15;
	s20 =	smov.u32 s13  }
0x22: {  	s15 =	sadd.s32 $0x1, s15;
	s21 =	simm.s32 @p0 $0x2;
	[sflag:s16] =	ssyncadd.s32 $0xFFFFC000  }
0x23: {  	[tilespmem:s18], [sflag:$0x1] =	stream.indirect.gather @p0 [hbm4b:s2+s17], $0x80, s14, s17, $0xb8;
	[tilespmem:$0x8680] =	vst v63  }
0x24: {  	p1 =	sne.s32 s15, $0xC;
	_ =	swait.ge @p0 [sflag:s21], $0x4000  }
0x25: {  	s13 =	sadd.s32 $0x800, s13;
	[sflag:s21] =	ssyncset.done @p0 $0x0  }
0x26: {  	s16 =	simm.s32 @p0 $0x0;
	s17 =	simm.s32 @p0 $0x4680;
	[sflag:s21] =	ssyncadd.s32 @p0 $0xFFFFC000  }
0x27: {  	[hbm4b:s20+s16] =	stream.linear.scatter @p0 [tilespmem:s17], [sflag:$0x3], $0x4000, $0x38;
	[tilespmem:$0x8680] =	vst v63  }
0x28: {  	s18 =	simm.s32 @!p0 $0x1;
	s16 =	simm.s32 @!p0 $0x80;
	s17 =	simm.s32 @!p0 $0x4680  }
0x29: {  	[tilespmem:s17], [sflag:$0x2] =	stream.indirect.gather @!p0 [hbm4b:s2+s16], $0x80, s14, s16, $0xb8;
	[tilespmem:$0x8680] =	vst v63  }
.Ltmp0:
0x2a: {  	s17 =	sand.u32 $0x1, s19;
	_ =	swait.ge @!p0 [sflag:s18], $0x4000;
	(pc) =	sbr.rel @p1 .LBB2_2-.Ltmp0, $4  }
0x2b: {  	s19 =	simm.s32 @!p0 $0x680;
	s16 =	simm.s32 @!p0 $0x4;
	[sflag:s18] =	ssyncset.done @!p0 $0x0  }
0x2c: {  	s16 =	simm.s32 @p0 $0x3;
	[sflag:s18] =	ssyncadd.s32 @!p0 $0xFFFFC000;
	s18 =	simm.s32 @!p0 $0x0  }
0x2d: {  	[hbm4b:s20+s18] =	stream.linear.scatter @!p0 [tilespmem:s19], [sflag:$0x4], $0x4000, $0x38;
	[tilespmem:$0x8680] =	vst v63  }
0x2e: {  	s14 =	sadd.s32 $0x80, s14;
	p0 =	seq.s32 s17, $0x1;
	_ =	swait.ge [sflag:s16], $0x4000  }
0x2f: {  	s15 =	simm.s32 @p0 $0x80;
	[sflag:s16] =	ssyncset.done $0x0  }
0x30: {  	s17 =	simm.s32 @p0 $0x680;
	s18 =	simm.s32 @p0 $0x2;
	[sflag:s16] =	ssyncadd.s32 $0xFFFFC000  }
0x31: {  	[tilespmem:s17], [sflag:$0x1] =	stream.indirect.gather @p0 [hbm4b:s2+s15], $0x80, s14, s15, $0xb8;
	[tilespmem:$0x8680] =	vst v63  }
0x32: {  	_ =	swait.ge @p0 [sflag:s18], $0x4000  }
0x33: {  	[sflag:s18] =	ssyncset.done @p0 $0x0  }
0x34: {  	s16 =	simm.s32 @p0 $0x4680;
	s15 =	simm.s32 @p0 $0x0;
	[sflag:s18] =	ssyncadd.s32 @p0 $0xFFFFC000  }
0x35: {  	[hbm4b:s13+s15] =	stream.linear.scatter @p0 [tilespmem:s16], [sflag:$0x3], $0x4000, $0x38;
	[tilespmem:$0x8680] =	vst v63  }
0x36: {  	s17 =	simm.s32 @!p0 $0x1;
	s15 =	simm.s32 @!p0 $0x80;
	s16 =	simm.s32 @!p0 $0x4680  }
0x37: {  	[tilespmem:s16], [sflag:$0x2] =	stream.indirect.gather @!p0 [hbm4b:s2+s15], $0x80, s14, s15, $0xb8;
	[tilespmem:$0x8680] =	vst v63  }
0x38: {  	_ =	swait.ge @!p0 [sflag:s17], $0x4000  }
0x39: {  	s14 =	simm.s32 @!p0 $0x680;
	s15 =	simm.s32 @!p0 $0x4;
	[sflag:s17] =	ssyncset.done @!p0 $0x0  }
0x3a: {  	s16 =	simm.s32 @!p0 $0x0;
	s15 =	simm.s32 @p0 $0x3;
	[sflag:s17] =	ssyncadd.s32 @!p0 $0xFFFFC000  }
0x3b: {  	[hbm4b:s13+s16] =	stream.linear.scatter @!p0 [tilespmem:s14], [sflag:$0x4], $0x4000, $0x38;
	[tilespmem:$0x8680] =	vst v63  }
0x3c: {  	_ =	swait.ge [sflag:s15], $0x4000  }
0x3d: {  	[sflag:s15] =	ssyncset.done $0x0  }
0x3e: {  	[sflag:s15] =	ssyncadd.s32 $0xFFFFC000  }
0x3f: {  	s12 =	sadd.s32 $0x1, s12;
	_ =	swait.ge [sflag:s10], $0x4000  }
0x40: {  	p0 =	sne.s32 s12, s5;
	[sflag:s10] =	ssyncset.done $0x0  }
.Ltmp1:
0x41: {  	[sflag:s10] =	ssyncadd.s32 $0xFFFFC000;
	(pc) =	sbr.rel @p0 .LBB2_1-.Ltmp1, $4  }
0x42: {  	[hbm4b:s6+s3] =	stream.linear.scatter [tilespmem:s9], [sflag:$0x4], $0x4000, $0x38;
	[tilespmem:$0x8680] =	vst v63  }
0x43: {  	_ =	swait.ge [sflag:s11], $0x4000  }
0x44: {  	[sflag:s11] =	ssyncset.done $0x0  }
0x45: {  	[sflag:s11] =	ssyncadd.s32 $0xFFFFC000  }
0x46: {  	_ =	sfence.sel $0x180000  }
0x47: {  	[bflag:$0x0] =	sbarrier.arrive $0xFFFF  }
0x48: {  	p0 =	sne.s32 s0, $0x0;
	_ =	strace $0x9000004A  }
0x49: {  	s0 =	sadd.s32 @!p0 $0x100000, s1;
	[bflag:$0x2] =	sbarrier.arrive $0xFFFF  }
0x4a: {  	[sflag:s0] =	ssyncadd.tile.s32 @!p0 $0x1;
	_ =	shalt  }
.Lfunc_end2:
_tile_overlayer_lowered:
.L_overlay_start_2:
0x4b: {  	(tag) =	ssettag $0x2  }
0x4c: {  	s0 =	rddreg [dreg:$0x0];
	s2 =	stileid.u32  }
0x4d: {  	s1 =	rddreg [dreg:$0x1];
	p0 =	sne.s32 s2, $0x0  }
0x4e: {  	s3 =	rddreg [dreg:$0x2];
	[bflag:$0x3] =	sbarrier.arrive $0xFFFF;
	s2 =	simm.s32 @!p0 $0x1C03  }
0x4f: {  	[timem:s3], [sflag:s2] =	dma.local @!p0 [hbm:s0], s1  }
0x50: {  	s0 =	simm.s32 @!p0 $0x3  }
0x51: {  	_ =	swait.ge @!p0 [sflag:s0], s1  }
0x52: {  	s1 =	ssub.s32 @!p0 $0x0, s1;
	[sflag:s0] =	ssyncset.done @!p0 $0x0  }
0x53: {  	[sflag:s0] =	ssyncadd.s32 @!p0 s1  }
0x54: {  	[bflag:$0x3] =	sbarrier.arrive $0xFFFF  }
0x55: {  	_ =	shalt  }

// kernel: kernel.9.cloned.1.call-start
scs
__scs_entry_jumppad:
0x0: {  	(pc) =	sbr.rel $0x88, $3  }
0x1: {  	(tag) =	ssettag $0x0;
	lr =	simm.s32 $0x1  }
0x2: {  	[smem:$0x3F8E] =	sst lr;
	_ =	strace $0xD0000000  }
0x3: {  	_ = 	snop  }
0x4: {  	_ = 	snop  }
0x5: {  	_ = 	snop  }
0x6: {  	_ = 	snop  }
0x7: {  	_ = 	snop  }
__scs_overlays_trampoline_lowered:
0x8: {  	[smem:$0x3F9D] =	sst s0  }
0x9: {  	[smem:$0x3F9E] =	sst s1  }
0xa: {  	[smem:$0x3F9F] =	sst s2  }
0xb: {  	[smem:$0x3FA0] =	sst s3  }
0xc: {  	[smem:$0x3FA1] =	sst s4  }
0xd: {  	[smem:$0x3FA2] =	sst s5  }
0xe: {  	[smem:$0x3FA3] =	sst s6  }
0xf: {  	[smem:$0x3FA4] =	sst s7  }
0x10: {  	[smem:$0x3FA5] =	sst s8  }
0x11: {  	[smem:$0x3FA6] =	sst s9;
	s0 =	simm.s32 @!p0 $0x0  }
0x12: {  	s1 =	sld [smem:$0x3F8C];
	s0 =	simm.s32 @p0 $0x1  }
0x13: {  	[smem:$0x3FA7] =	sst s0;
	s0 =	simm.s32 @!p1 $0x0  }
0x14: {  	s2 =	sld [smem:$0x3F8B];
	s0 =	simm.s32 @p1 $0x1  }
0x15: {  	[smem:$0x3FA8] =	sst s0;
	s0 =	simm.s32 @!p2 $0x0  }
0x16: {  	s3 =	sld [smem:$0x3FDB];
	s0 =	simm.s32 @p2 $0x1  }
0x17: {  	s4 =	simm.s32 $0x1BF5;
	[smem:$0x3FAA] =	sst s0  }
0x18: {  	s0 =	sld [smem:$0x3F8D];
	_ =	swait.ge [sflag:s4], $0x0  }
0x19: {  	s7 =	sld [smem:$0x3F8E]  }
0x1a: {  	s8 =	sadd.s32 $0xFFFFE003, lr  }
0x1b: {  	s9 =	sadd.s32 $0xFFFFFEF7, lr;
	s5 =	simm.s32 $0xFFFFFFFF;
	p2 =	slt.u32 s8, $0xFFFFF086  }
0x1c: {  	p1 =	slt.u32 s9, $0xF7A;
	s5 =	simm.s32 @!p2 $0x0  }
0x1d: {  	s5 =	simm.s32 @p1 $0x1;
	p0 =	seq.s32 s7, s2  }
0x1e: {  	s7 =	smul.u32 @!p0 $0xF7A, s2;
	p2 =	seq.s32 @!p0 s5, $0x0  }
0x1f: {  	s9 =	smul.u32 $0xF7A, s1;
	s8 =	simm.s32 @!p0 $0x1BF5;
	p2 =	por !p2, p0  }
0x20: {  	[sflag:s8] =	ssyncset.s32 @!p0 $0xFFFFF086;
	s6 =	sadd.s32 @!p0 s3, s7;
	s7 =	simm.s32 @!p0 $0x108  }
0x21: {  	s3 =	sadd.s32 s3, s9;
	s6 =	sadd.s32 @!p0 $0x88, s6;
	s7 =	simm.s32 @p2 $0x1082  }
0x22: {  	[simem:s7], [sflag:s8] =	dma.local @!p0 [hbm:s6], $0xF7A  }
0x23: {  	s9 =	sor.u32 $0xD0000000, s2;
	s6 =	simm.s32 $0x108;
	_ =	swait.ge @!p0 [sflag:s8], $0x0  }
0x24: {  	s3 =	sadd.s32 $0x88, s3;
	s6 =	simm.s32 @!p1 $0x1082;
	[sflag:s4] =	ssyncset.s32 $0xFFFFF086  }
0x25: {  	[simem:s6], [sflag:s4] =	dma.local [hbm:s3], $0xF7A  }
0x26: {  	[smem:$0x3F8E] =	sst s1;
	(tag) =	ssettag s2;
	_ =	strace s9  }
0x27: {  	s1 =	sld [smem:$0x3F9E]  }
0x28: {  	s2 =	sld [smem:$0x3F9F]  }
0x29: {  	s4 =	sld [smem:$0x3FA1]  }
0x2a: {  	p0 =	seq.s32 s5, $0x0;
	s5 =	sld [smem:$0x3FA2]  }
0x2b: {  	s6 =	sld [smem:$0x3FA3]  }
0x2c: {  	s7 =	sld [smem:$0x3FA4]  }
0x2d: {  	s3 =	simm.s32 $0x108;
	s8 =	sld [smem:$0x3FA5]  }
0x2e: {  	s3 =	simm.s32 @!p0 $0x1082;
	s9 =	sld [smem:$0x3FA6]  }
0x2f: {  	lr =	sadd.s32 s0, s3;
	s0 =	sld [smem:$0x3F9D]  }
0x30: {  	s3 =	sld [smem:$0x3FA0]  }
0x31: {  	[smem:$0x3FA9] =	sst s10  }
0x32: {  	s10 =	sld [smem:$0x3FA7];
	_ =	sdelay $0x3  }
0x33: {  	p0 =	seq.s32 s10, $0x1;
	s10 =	sld [smem:$0x3FA9];
	_ =	sdelay $0x3  }
0x34: {  	[smem:$0x3FA9] =	sst s10  }
0x35: {  	s10 =	sld [smem:$0x3FA8];
	_ =	sdelay $0x3  }
0x36: {  	p1 =	seq.s32 s10, $0x1;
	s10 =	sld [smem:$0x3FA9];
	_ =	sdelay $0x3  }
0x37: {  	[smem:$0x3FA9] =	sst s10  }
0x38: {  	s10 =	sld [smem:$0x3FAA]  }
0x39: {  	_ = 	snop;
	(pc) =	sbr.ind lr, $3  }
0x3a: {  	_ = 	snop  }
0x3b: {  	_ = 	snop  }
0x3c: {  	p2 =	seq.s32 s10, $0x1;
	s10 =	sld [smem:$0x3FA9]  }
0x3d: {  	_ =	shalt  }
0x3e: {  	_ =	shalt  }
0x3f: {  	_ =	shalt  }
0x40: {  	_ =	shalt  }
0x41: {  	_ =	shalt  }
0x42: {  	_ =	shalt  }
0x43: {  	_ =	shalt  }
0x44: {  	_ =	shalt  }
0x45: {  	_ =	shalt  }
0x46: {  	_ =	shalt  }
0x47: {  	_ =	shalt  }
0x48: {  	_ =	shalt  }
0x49: {  	_ =	shalt  }
0x4a: {  	_ =	shalt  }
0x4b: {  	_ =	shalt  }
0x4c: {  	_ =	shalt  }
0x4d: {  	_ =	shalt  }
0x4e: {  	_ =	shalt  }
0x4f: {  	_ =	shalt  }
0x50: {  	_ =	shalt  }
0x51: {  	_ =	shalt  }
0x52: {  	_ =	shalt  }
0x53: {  	_ =	shalt  }
0x54: {  	_ =	shalt  }
0x55: {  	_ =	shalt  }
0x56: {  	_ =	shalt  }
0x57: {  	_ =	shalt  }
0x58: {  	_ =	shalt  }
0x59: {  	_ =	shalt  }
0x5a: {  	_ =	shalt  }
0x5b: {  	_ =	shalt  }
0x5c: {  	_ =	shalt  }
0x5d: {  	_ =	shalt  }
0x5e: {  	_ =	shalt  }
0x5f: {  	_ =	shalt  }
0x60: {  	_ =	shalt  }
0x61: {  	_ =	shalt  }
0x62: {  	_ =	shalt  }
0x63: {  	_ =	shalt  }
0x64: {  	_ =	shalt  }
0x65: {  	_ =	shalt  }
0x66: {  	_ =	shalt  }
0x67: {  	_ =	shalt  }
0x68: {  	_ =	shalt  }
0x69: {  	_ =	shalt  }
0x6a: {  	_ =	shalt  }
0x6b: {  	_ =	shalt  }
0x6c: {  	_ =	shalt  }
0x6d: {  	_ =	shalt  }
0x6e: {  	_ =	shalt  }
0x6f: {  	_ =	shalt  }
0x70: {  	_ =	shalt  }
0x71: {  	_ =	shalt  }
0x72: {  	_ =	shalt  }
0x73: {  	_ =	shalt  }
0x74: {  	_ =	shalt  }
0x75: {  	_ =	shalt  }
0x76: {  	_ =	shalt  }
0x77: {  	_ =	shalt  }
0x78: {  	_ =	shalt  }
0x79: {  	_ =	shalt  }
0x7a: {  	_ =	shalt  }
0x7b: {  	_ =	shalt  }
0x7c: {  	_ =	shalt  }
0x7d: {  	_ =	shalt  }
0x7e: {  	_ =	shalt  }
0x7f: {  	_ =	shalt  }
0x80: {  	_ =	shalt  }
0x81: {  	_ =	shalt  }
0x82: {  	_ =	shalt  }
0x83: {  	_ =	shalt  }
0x84: {  	_ =	shalt  }
0x85: {  	_ =	shalt  }
0x86: {  	_ =	shalt  }
0x87: {  	_ =	shalt  }
.Lfunc_end0:
.L_simem_size_0:
called_computation.1_lowered:
.L_overlay_start_0:
0x88: {  	s2 =	sld [smem:$0x3FD9]  }
0x89: {  	s3 =	sld [smem:$0x3FFE];
	_ =	sdelay $0x1  }
0x8a: {  	s1 =	srdreg.scid  }
0x8b: {  	s0 =	sand.u32 $0x1, s1  }
0x8c: {  	s17 =	sshll.u32 s0, $0xA;
	s2 =	sadd.s32 s3, s2  }
0x8d: {  	s2 =	sadd.s32 s2, s17  }
0x8e: {  	[smem:$0x3FB5] =	sst s2  }
0x8f: {  	_ = 	snop  }
0x90: {  	s2 =	sld [smem:$0x3FC1];
	(tm) =	ssettm $0x1  }
0x91: {  	s18 =	sld [smem:$0x3FFB];
	_ =	sdelay $0x3  }
0x92: {  	_ =	strace s18  }
0x93: {  	s3 =	sld [smem:$0x3FFC];
	_ =	sdelay $0x3  }
0x94: {  	_ =	strace s3  }
0x95: {  	s3 =	sld [smem:$0x3FFD];
	_ =	sdelay $0x3  }
0x96: {  	_ =	strace s3  }
0x97: {  	_ =	strace $0x8FFFFFFF  }
0x98: {  	s19 =	sld [smem:$0x3FDB];
	_ =	sdelay $0x1  }
0x99: {  	s4 =	simm.s32 $_scs_section_size  }
0x9a: {  	s5 =	simm.s32 $_size__tile_overlayer_lowered;
	s6 =	simm.s32 $_tile_overlayer_lowered  }
0x9b: {  	s22 =	simm.s32 $0x1BFF;
	s21 =	sshll.u32 s6, $0x1;
	s3 =	sadd.s32 s4, s19  }
0x9c: {  	s7 =	simm.s32 $0x0;
	s20 =	sshll.u32 s5, $0x1;
	s5 =	sadd.s32 s21, s3  }
0x9d: {  	[timem:s7], [sflag:s22] =	dma.local [hbm:s5], s20  }
0x9e: {  	_ =	swait.ge [sflag:s22], s20  }
0x9f: {  	s4 =	ssub.s32 $0x0, s20;
	[sflag:s22] =	ssyncset.done $0x0  }
0xa0: {  	[sflag:s22] =	ssyncadd.s32 s4;
	_ =	sdelay $0x1  }
0xa1: {  	s23 =	simm.s32 $0x1B8B  }
0xa2: {  	_ =	swait.ge [sflag:s23], $0x1  }
0xa3: {  	[sflag:s23] =	ssyncset.done $0x0  }
0xa4: {  	s25 =	simm.s32 $0x1B8E;
	s24 =	sld [smem:$0x3FFE];
	[sflag:s23] =	ssyncadd.s32 $0xFFFFFFFF  }
0xa5: {  	s26 =	simm.s32 $execute0_lowered;
	[smem:$0x3FD2] =	sst s25  }
0xa6: {  	s5 =	sshll.u32 s26, $0x1;
	_ =	strace $0x80000046;
	[dreg:$0x1] =	wrdreg $0xFFFFFFFF  }
0xa7: {  	s28 =	simm.s32 $_size_execute0_lowered;
	s3 =	sadd.s32 s3, s5;
	[dreg:$0x0] =	wrdreg $0x0  }
0xa8: {  	s5 =	sshll.u32 s28, $0x1;
	[dreg:$0x2] =	wrdreg s3  }
0xa9: {  	[dreg:$0x3] =	wrdreg s5  }
0xaa: {  	[dreg:$0x4] =	wrdreg $0xC0  }
0xab: {  	_ =	task [dreg:s7], $0x5FFFF  }
0xac: {  	[dreg:$0x1] =	wrdreg $0xFFFFFFFF  }
0xad: {  	[dreg:$0x0] =	wrdreg $0x60  }
0xae: {  	[dreg:$0x2] =	wrdreg s24  }
0xaf: {  	[dreg:$0x3] =	wrdreg s2  }
0xb0: {  	[dreg:$0x4] =	wrdreg $0xA  }
0xb1: {  	_ =	task.clear_ibuf [dreg:s7], $0x5FFFF;
	_ =	strace $0x90000046  }
0xb2: {  	s29 =	simm.s32 $0xA;
	_ =	strace $0x80000048  }
0xb3: {  	_ =	swait.ge [sflag:s29], $0x1  }
0xb4: {  	[sflag:s29] =	ssyncadd.s32 $0xFFFFFFFF  }
0xb5: {  	_ =	strace $0x90000048  }
0xb6: {  	_ =	sfence  }
0xb7: {  	s30 =	sld [smem:$0x0];
	_ =	sdelay $0x2  }
0xb8: {  	s31 =	sshll.u32 s1, $0xD;
	s1 =	sshrl.u32 s1, $0x2  }
0xb9: {  	s3 =	sand.u32 $0x4000, s31;
	s1 =	sadd.s32 s1, s30  }
0xba: {  	s0 =	sor.u32 s3, s0;
	s1 =	sshll.u32 s1, $0x11  }
0xbb: {  	s0 =	sor.u32 s1, s0  }
0xbc: {  	s0 =	sadd.s32 $0x8F2B, s0  }
0xbd: {  	[sflag:s0] =	ssyncadd.remote.s32 $0x1  }
0xbe: {  	_ =	sfence.sel $0xFFFF  }
0xbf: {  	[dreg:$0x0] =	wrdreg $0xFFFFFFFF;
	(pc) =	sbr.abs _section_cstart, $3  }
0xc0: {  	[dreg:$0x1] =	wrdreg $0xFFFFFFFF  }
0xc1: {  	_ =	task.clear_ibuf [dreg:s7], $0x2FFFF;
	_ =	strace $0x9FFFFFFF  }
0xc2: {  	(tm) =	ssettm $0x7FFFFFFF  }
0xc3: {  	_ =	shalt  }
tec
execute0_lowered:
.L_overlay_start_1:
0x0: {  	(tag) =	ssettag $0x1  }
0x1: {  	s1 =	srdreg.scid  }
0x2: {  	s0 =	stileid.u32;
	s4 =	rddreg [dreg:$0x0]  }
0x3: {  	s2 =	rddreg [dreg:$0x1];
	s3 =	simm.s32 $0x0;
	s12 =	simm.s32 $0x0  }
0x4: {  	s5 =	sand.u32 $0x1, s1;
	s30 =	sshll.u32 s0, $0x1;
	s1 =	rddreg [dreg:$0x2]  }
0x5: {  	[smem:$0x7FF] =	sst s3;
	s9 =	smul.u32 $0x68000, s0;
	s11 =	sadd.s32 $0x8E00, s4  }
0x6: {  	s6 =	sor.u32 s5, s30;
	s8 =	ssub.s32 $0x2, s5;
	s5 =	smul.u32 $0x34000, s5  }
0x7: {  	_ =	strace $0x80000047;
	s7 =	smul.u32 $0xD0, s6;
	s10 =	sshrl.u32 s8, $0x1  }
0x8: {  	s6 =	smul.u32 $0x34000, s6;
	s8 =	ssub.s32 s8, s10;
	s31 =	sadd.s32 s5, s9  }
0x9: {  	s9 =	simm.s32 $0x680;
	s10 =	simm.s32 $0x1;
	s7 =	sadd.s32 s7, s4  }
0xa: {  	s6 =	sshrl.u32 s6, $0x3;
	s5 =	smax.u32 s8, $0x1;
	s8 =	simm.s32 $0x3  }
0xb: {  	s4 =	sadd.s32 $0x7400, s7;
	s6 =	sadd.s32 s11, s6;
	s7 =	sshrl.u32 s31, $0x3  }
0xc: {  	s6 =	sadd.s32 $0x6000, s6;
	s7 =	sadd.s32 s7, s11;
	s11 =	simm.s32 $0x4  }
.LBB2_1:
0xd: {  	[tilespmem:s3], [sflag:$0x3] =	stream.linear.gather [hbm4b:s4+s3], $0x680, $0x38;
	[tilespmem:$0x8680] =	vst v63  }
0xe: {  	_ =	swait.ge [sflag:s8], $0x680  }
0xf: {  	s14 =	sand.u32 $0x1, s3;
	[sflag:s8] =	ssyncset.done $0x0  }
0x10: {  	s13 =	simm.s32 $0x80;
	p0 =	seq.s32 s14, $0x1;
	[sflag:s8] =	ssyncadd.s32 $0xFFFFF980  }
0x11: {  	[tilespmem:s9], [sflag:$0x1] =	stream.indirect.gather [hbm4b:s2+s13], $0x80, s3, s13, $0xb8;
	[tilespmem:$0x8680] =	vst v63  }
0x12: {  	s14 =	simm.s32 @p0 $0x80;
	s15 =	simm.s32 @p0 $0x680;
	s16 =	simm.s32 @p0 $0x2  }
0x13: {  	[tilespmem:s15], [sflag:$0x1] =	stream.indirect.gather @p0 [hbm4b:s2+s14], $0x80, s13, s14, $0xb8;
	[tilespmem:$0x8680] =	vst v63  }
0x14: {  	_ =	swait.ge @p0 [sflag:s16], $0x4000  }
0x15: {  	[sflag:s16] =	ssyncset.done @p0 $0x0  }
0x16: {  	s14 =	simm.s32 @p0 $0x0;
	s15 =	simm.s32 @p0 $0x4680;
	[sflag:s16] =	ssyncadd.s32 @p0 $0xFFFFC000  }
0x17: {  	[hbm4b:s7+s14] =	stream.linear.scatter @p0 [tilespmem:s15], [sflag:$0x3], $0x4000, $0x38;
	[tilespmem:$0x8680] =	vst v63  }
0x18: {  	s17 =	simm.s32 @!p0 $0x1;
	s14 =	simm.s32 @!p0 $0x80;
	s15 =	simm.s32 @!p0 $0x4680  }
0x19: {  	[tilespmem:s15], [sflag:$0x2] =	stream.indirect.gather @!p0 [hbm4b:s2+s14], $0x80, s13, s14, $0xb8;
	[tilespmem:$0x8680] =	vst v63  }
0x1a: {  	s16 =	simm.s32 @!p0 $0x4;
	_ =	swait.ge @!p0 [sflag:s17], $0x4000  }
0x1b: {  	s31 =	simm.s32 $0x1;
	s16 =	simm.s32 @p0 $0x3;
	[sflag:s17] =	ssyncset.done @!p0 $0x0  }
0x1c: {  	s13 =	simm.s32 @!p0 $0x680;
	[sflag:s17] =	ssyncadd.s32 @!p0 $0xFFFFC000;
	s17 =	simm.s32 @!p0 $0x0  }
0x1d: {  	[hbm4b:s7+s17] =	stream.linear.scatter @!p0 [tilespmem:s13], [sflag:$0x4], $0x4000, $0x38;
	[tilespmem:$0x8680] =	vst v63  }
0x1e: {  	s15 =	simm.s32 $0x2;
	s14 =	sand.u32 $0x1, s31;
	s13 =	sadd.s32 $0x800, s7  }
0x1f: {  	p0 =	seq.s32 s14, $0x1;
	s14 =	simm.s32 $0x100;
	_ =	swait.ge [sflag:s16], $0x4000  }
.LBB2_2:
0x20: {  	s17 =	simm.s32 @p0 $0x80;
	s18 =	simm.s32 @p0 $0x680  }
0x21: {  	[sflag:s16] =	ssyncset.done $0x0;
	s19 =	smov.u32 s15;
	s20 =	smov.u32 s13  }
0x22: {  	s15 =	sadd.s32 $0x1, s15;
	s21 =	simm.s32 @p0 $0x2;
	[sflag:s16] =	ssyncadd.s32 $0xFFFFC000  }
0x23: {  	[tilespmem:s18], [sflag:$0x1] =	stream.indirect.gather @p0 [hbm4b:s2+s17], $0x80, s14, s17, $0xb8;
	[tilespmem:$0x8680] =	vst v63  }
0x24: {  	p1 =	sne.s32 s15, $0xC;
	_ =	swait.ge @p0 [sflag:s21], $0x4000  }
0x25: {  	s13 =	sadd.s32 $0x800, s13;
	[sflag:s21] =	ssyncset.done @p0 $0x0  }
0x26: {  	s16 =	simm.s32 @p0 $0x0;
	s17 =	simm.s32 @p0 $0x4680;
	[sflag:s21] =	ssyncadd.s32 @p0 $0xFFFFC000  }
0x27: {  	[hbm4b:s20+s16] =	stream.linear.scatter @p0 [tilespmem:s17], [sflag:$0x3], $0x4000, $0x38;
	[tilespmem:$0x8680] =	vst v63  }
0x28: {  	s18 =	simm.s32 @!p0 $0x1;
	s16 =	simm.s32 @!p0 $0x80;
	s17 =	simm.s32 @!p0 $0x4680  }
0x29: {  	[tilespmem:s17], [sflag:$0x2] =	stream.indirect.gather @!p0 [hbm4b:s2+s16], $0x80, s14, s16, $0xb8;
	[tilespmem:$0x8680] =	vst v63  }
.Ltmp0:
0x2a: {  	s17 =	sand.u32 $0x1, s19;
	_ =	swait.ge @!p0 [sflag:s18], $0x4000;
	(pc) =	sbr.rel @p1 .LBB2_2-.Ltmp0, $4  }
0x2b: {  	s19 =	simm.s32 @!p0 $0x680;
	s16 =	simm.s32 @!p0 $0x4;
	[sflag:s18] =	ssyncset.done @!p0 $0x0  }
0x2c: {  	s16 =	simm.s32 @p0 $0x3;
	[sflag:s18] =	ssyncadd.s32 @!p0 $0xFFFFC000;
	s18 =	simm.s32 @!p0 $0x0  }
0x2d: {  	[hbm4b:s20+s18] =	stream.linear.scatter @!p0 [tilespmem:s19], [sflag:$0x4], $0x4000, $0x38;
	[tilespmem:$0x8680] =	vst v63  }
0x2e: {  	s14 =	sadd.s32 $0x80, s14;
	p0 =	seq.s32 s17, $0x1;
	_ =	swait.ge [sflag:s16], $0x4000  }
0x2f: {  	s15 =	simm.s32 @p0 $0x80;
	[sflag:s16] =	ssyncset.done $0x0  }
0x30: {  	s17 =	simm.s32 @p0 $0x680;
	s18 =	simm.s32 @p0 $0x2;
	[sflag:s16] =	ssyncadd.s32 $0xFFFFC000  }
0x31: {  	[tilespmem:s17], [sflag:$0x1] =	stream.indirect.gather @p0 [hbm4b:s2+s15], $0x80, s14, s15, $0xb8;
	[tilespmem:$0x8680] =	vst v63  }
0x32: {  	_ =	swait.ge @p0 [sflag:s18], $0x4000  }
0x33: {  	[sflag:s18] =	ssyncset.done @p0 $0x0  }
0x34: {  	s16 =	simm.s32 @p0 $0x4680;
	s15 =	simm.s32 @p0 $0x0;
	[sflag:s18] =	ssyncadd.s32 @p0 $0xFFFFC000  }
0x35: {  	[hbm4b:s13+s15] =	stream.linear.scatter @p0 [tilespmem:s16], [sflag:$0x3], $0x4000, $0x38;
	[tilespmem:$0x8680] =	vst v63  }
0x36: {  	s17 =	simm.s32 @!p0 $0x1;
	s15 =	simm.s32 @!p0 $0x80;
	s16 =	simm.s32 @!p0 $0x4680  }
0x37: {  	[tilespmem:s16], [sflag:$0x2] =	stream.indirect.gather @!p0 [hbm4b:s2+s15], $0x80, s14, s15, $0xb8;
	[tilespmem:$0x8680] =	vst v63  }
0x38: {  	_ =	swait.ge @!p0 [sflag:s17], $0x4000  }
0x39: {  	s14 =	simm.s32 @!p0 $0x680;
	s15 =	simm.s32 @!p0 $0x4;
	[sflag:s17] =	ssyncset.done @!p0 $0x0  }
0x3a: {  	s16 =	simm.s32 @!p0 $0x0;
	s15 =	simm.s32 @p0 $0x3;
	[sflag:s17] =	ssyncadd.s32 @!p0 $0xFFFFC000  }
0x3b: {  	[hbm4b:s13+s16] =	stream.linear.scatter @!p0 [tilespmem:s14], [sflag:$0x4], $0x4000, $0x38;
	[tilespmem:$0x8680] =	vst v63  }
0x3c: {  	_ =	swait.ge [sflag:s15], $0x4000  }
0x3d: {  	[sflag:s15] =	ssyncset.done $0x0  }
0x3e: {  	[sflag:s15] =	ssyncadd.s32 $0xFFFFC000  }
0x3f: {  	s12 =	sadd.s32 $0x1, s12;
	_ =	swait.ge [sflag:s10], $0x4000  }
0x40: {  	p0 =	sne.s32 s12, s5;
	[sflag:s10] =	ssyncset.done $0x0  }
.Ltmp1:
0x41: {  	[sflag:s10] =	ssyncadd.s32 $0xFFFFC000;
	(pc) =	sbr.rel @p0 .LBB2_1-.Ltmp1, $4  }
0x42: {  	[hbm4b:s6+s3] =	stream.linear.scatter [tilespmem:s9], [sflag:$0x4], $0x4000, $0x38;
	[tilespmem:$0x8680] =	vst v63  }
0x43: {  	_ =	swait.ge [sflag:s11], $0x4000  }
0x44: {  	[sflag:s11] =	ssyncset.done $0x0  }
0x45: {  	[sflag:s11] =	ssyncadd.s32 $0xFFFFC000  }
0x46: {  	_ =	sfence.sel $0x180000  }
0x47: {  	[bflag:$0x0] =	sbarrier.arrive $0xFFFF  }
0x48: {  	p0 =	sne.s32 s0, $0x0;
	_ =	strace $0x90000047  }
0x49: {  	s0 =	sadd.s32 @!p0 $0x100000, s1;
	[bflag:$0x2] =	sbarrier.arrive $0xFFFF  }
0x4a: {  	[sflag:s0] =	ssyncadd.tile.s32 @!p0 $0x1;
	_ =	shalt  }
.Lfunc_end2:
_tile_overlayer_lowered:
.L_overlay_start_2:
0x4b: {  	(tag) =	ssettag $0x2  }
0x4c: {  	s0 =	rddreg [dreg:$0x0];
	s2 =	stileid.u32  }
0x4d: {  	s1 =	rddreg [dreg:$0x1];
	p0 =	sne.s32 s2, $0x0  }
0x4e: {  	s3 =	rddreg [dreg:$0x2];
	[bflag:$0x3] =	sbarrier.arrive $0xFFFF;
	s2 =	simm.s32 @!p0 $0x1C03  }
0x4f: {  	[timem:s3], [sflag:s2] =	dma.local @!p0 [hbm:s0], s1  }
0x50: {  	s0 =	simm.s32 @!p0 $0x3  }
0x51: {  	_ =	swait.ge @!p0 [sflag:s0], s1  }
0x52: {  	s1 =	ssub.s32 @!p0 $0x0, s1;
	[sflag:s0] =	ssyncset.done @!p0 $0x0  }
0x53: {  	[sflag:s0] =	ssyncadd.s32 @!p0 s1  }
0x54: {  	[bflag:$0x3] =	sbarrier.arrive $0xFFFF  }
0x55: {  	_ =	shalt  }

</sc_bundles>
